<compile_context>
chip_gen: v7x
topology: tpu7x:2x2x1
jax: 0.10.2.dev20260603
libtpu: 0.0.44.dev20260713+nightly
codegen_flags: <defaults>
</compile_context>

<pallas_src>
import functools

import jax
import jax.numpy as jnp
from jax import lax
from jax.experimental import pallas as pl
from jax.experimental.pallas import tpu as pltpu
from jax.experimental.pallas import tpu_sc as plsc

_NC = 2
_NS = 16
_NW = _NC * _NS


def _make_sc_agg(table_rows, n_pad, d, nch, k, with_gather):
  mesh = plsc.VectorSubcoreMesh(core_axis_name="c", subcore_axis_name="s")
  rows_pt = n_pad // _NS
  lanes = 16

  scratch = [
      pltpu.VMEM((k,), jnp.int32),
      pltpu.VMEM((k, d), jnp.float32),
      pltpu.VMEM_SHARED((n_pad, d), jnp.float32),
      pltpu.SemaphoreType.DMA,
  ]
  if with_gather:
    scratch = [pltpu.VMEM((k,), jnp.int32)] + scratch

  def body(*refs):
    if with_gather:
      (table_hbm, gidx_hbm, dst_hbm, out_hbm,
       gidx_small, dst_small, rows, acc, sem) = refs
    else:
      (dst_hbm, out_hbm, dst_small, rows, acc, sem) = refs
    cid = lax.axis_index("c")
    sid = lax.axis_index("s")
    wid = cid * _NS + sid
    row0 = sid * rows_pt

    def fill(val):
      def one_row(r, _):
        for j in range(d // lanes):
          rows[r, pl.ds(j * lanes, lanes)] = jnp.full((lanes,), val,
                                                      jnp.float32)
        return 0
      lax.fori_loop(0, k, one_row, 0)

    fill(0.0)
    n_full, rem = rows_pt // k, rows_pt % k
    for t in range(n_full):
      pltpu.sync_copy(rows, acc.at[pl.ds(row0 + t * k, k)])
    if rem:
      pltpu.sync_copy(rows.at[pl.ds(0, rem)],
                      acc.at[pl.ds(row0 + n_full * k, rem)])
    plsc.subcore_barrier()

    if not with_gather:
      fill(1.0)

    e_w = nch * k

    def chunk(c, _):
      off = wid * e_w + c * k
      pltpu.sync_copy(dst_hbm.at[pl.ds(off, k)], dst_small)
      if with_gather:
        pltpu.sync_copy(gidx_hbm.at[pl.ds(off, k)], gidx_small)
        pltpu.async_copy(table_hbm.at[gidx_small], rows, sem).wait()
      pltpu.sync_copy(rows, acc.at[dst_small], add=True)
      return 0
    lax.fori_loop(0, nch, chunk, 0)

    plsc.subcore_barrier()
    pltpu.sync_copy(acc.at[pl.ds(row0, rows_pt)],
                    out_hbm.at[cid, pl.ds(row0, rows_pt)])

  return pl.kernel(
      body,
      out_type=jax.ShapeDtypeStruct((_NC, n_pad, d), jnp.float32),
      mesh=mesh,
      scratch_types=scratch,
  )


def _tc_transform(x, w_all, bn):
  rw = w_all.shape[0]
  n, d = x.shape
  nb = n // bn

  def body(x_ref, w_ref, o_ref):
    o_ref[0] = jnp.dot(x_ref[...], w_ref[0],
                       preferred_element_type=jnp.float32)

  return pl.pallas_call(
      body,
      grid=(nb, rw),
      in_specs=[
          pl.BlockSpec((bn, d), lambda b, g: (b, 0)),
          pl.BlockSpec((1, d, d), lambda b, g: (g, 0, 0)),
      ],
      out_specs=pl.BlockSpec((1, bn, d), lambda b, g: (g, b, 0)),
      out_shape=jax.ShapeDtypeStruct((rw, n, d), jnp.float32),
  )(x, w_all)


def _tc_combine(a2, s, x, deg_inv, gamma, beta, bn):
  n, d = x.shape
  nb = n // bn

  def body(a_ref, s_ref, x_ref, di_ref, g_ref, b_ref, o_ref):
    y = a_ref[0] + a_ref[1]
    h = jnp.maximum(y * di_ref[...] + s_ref[...], 0.0)
    y = h + x_ref[...]
    mu = jnp.mean(y, axis=-1, keepdims=True)
    var = jnp.mean((y - mu) * (y - mu), axis=-1, keepdims=True)
    o_ref[...] = ((y - mu) * lax.rsqrt(var + 1e-5) * g_ref[...]
                  + b_ref[...])

  return pl.pallas_call(
      body,
      grid=(nb,),
      in_specs=[
          pl.BlockSpec((2, bn, d), lambda b: (0, b, 0)),
          pl.BlockSpec((bn, d), lambda b: (b, 0)),
          pl.BlockSpec((bn, d), lambda b: (b, 0)),
          pl.BlockSpec((bn, 1), lambda b: (b, 0)),
          pl.BlockSpec((1, d), lambda b: (0, 0)),
          pl.BlockSpec((1, d), lambda b: (0, 0)),
      ],
      out_specs=pl.BlockSpec((bn, d), lambda b: (b, 0)),
      out_shape=jax.ShapeDtypeStruct((n, d), jnp.float32),
  )(a2, s, x, deg_inv, gamma, beta)


def _tc_deg_inv(a_deg2, n, bn):
  d = a_deg2.shape[2]
  nb = n // bn

  def body(a_ref, o_ref):
    deg = a_ref[0, :, :1] + a_ref[1, :, :1]
    o_ref[...] = 1.0 / jnp.maximum(deg, 1.0)

  return pl.pallas_call(
      body,
      grid=(nb,),
      in_specs=[pl.BlockSpec((2, bn, d), lambda b: (0, b, 0))],
      out_specs=pl.BlockSpec((bn, 1), lambda b: (b, 0)),
      out_shape=jax.ShapeDtypeStruct((n, 1), jnp.float32),
  )(a_deg2)


def kernel(annotation_ids, annotation_feature, annotation_edges,
           annotation_edges_type, W_rel, W_self, ln_gamma, ln_beta):
  x = annotation_feature
  n, d = x.shape
  num_layers, num_rel = W_rel.shape[0], W_rel.shape[1]
  e = annotation_edges.shape[1]

  k = 128
  e_w = pl.cdiv(e, _NW * k) * k
  e_pad = e_w * _NW
  nch = e_w // k
  n_pad = (n // 128 + 1) * 128

  src = annotation_edges[0]
  dst = annotation_edges[1]
  gidx = annotation_edges_type * n + src
  pad = e_pad - e
  gidx_flat = jnp.concatenate([gidx, jnp.zeros((pad,), jnp.int32)])
  dst_flat = jnp.concatenate([dst, jnp.full((pad,), n, jnp.int32)])

  bn = 2000
  sc_agg = _make_sc_agg(num_rel * n, n_pad, d, nch, k, with_gather=True)
  sc_deg = _make_sc_agg(0, n_pad, d, nch, k, with_gather=False)

  a_deg2 = sc_deg(dst_flat)
  deg_inv = _tc_deg_inv(a_deg2, n, bn)

  w_all = jnp.concatenate([W_rel, W_self[:, None]], axis=1)

  def step(xc, per_layer):
    w_all_l, g_l, b_l = per_layer
    hs = _tc_transform(xc, w_all_l, bn)
    h = hs[:num_rel].reshape(num_rel * n, d)
    s = hs[num_rel]
    a2 = sc_agg(h, gidx_flat, dst_flat)
    xn = _tc_combine(a2, s, xc, deg_inv, g_l[None], b_l[None], bn)
    return xn, None

  xf, _ = lax.scan(step, x, (w_all, ln_gamma, ln_beta))
  return xf

# --- scband reference (transcript-rebuilt; emitter-appended) ---
"""Pipeline reference for scband-semantic-encoder-22874995818773 (READ-ONLY COPY).

The authoritative reference and input builder live on the scoring server;
editing this copy changes nothing except your own understanding.
"""

import jax, jax.numpy as jnp
import numpy as np

N = 10000
E = 320000
D = 128
R = 5
L = 10


def setup_inputs(seed: int = 0) -> dict:
    key = jax.random.key(seed)
    k1, k2, k3, k4, k5 = jax.random.split(key, 5)
    annotation_ids = jnp.arange(N, dtype=jnp.int32)
    annotation_feature = jax.random.normal(k1, (N, D), dtype=jnp.float32)
    annotation_edges = jax.random.randint(k2, (2, E), 0, N, dtype=jnp.int32)
    annotation_edges_type = jax.random.randint(k3, (E,), 0, R, dtype=jnp.int32)
    # learned parameters for the 10 HetSemGCN layers (per-relation transforms +
    # self-loop transform, RGCN-style) and the 10 LayerNorms
    W_rel = jax.random.normal(k4, (L, R, D, D), dtype=jnp.float32) * 0.05
    W_self = jax.random.normal(k5, (L, D, D), dtype=jnp.float32) * 0.05
    ln_gamma = jnp.ones((L, D), dtype=jnp.float32)
    ln_beta = jnp.zeros((L, D), dtype=jnp.float32)
    return {
        "annotation_ids": annotation_ids,
        "annotation_feature": annotation_feature,
        "annotation_edges": annotation_edges,
        "annotation_edges_type": annotation_edges_type,
        "W_rel": W_rel,
        "W_self": W_self,
        "ln_gamma": ln_gamma,
        "ln_beta": ln_beta,
    }


def _layer_norm(y, gamma, beta, eps=1e-5):
    mu = jnp.mean(y, axis=-1, keepdims=True)
    var = jnp.var(y, axis=-1, keepdims=True)
    return (y - mu) / jnp.sqrt(var + eps) * gamma + beta


def reference(annotation_ids, annotation_feature, annotation_edges,
              annotation_edges_type, W_rel, W_self, ln_gamma, ln_beta):
    # annotation_graph = (annotation_ids, annotation_feature,
    #                     annotation_edges, annotation_edges_type)
    # annotation_ids is unused by the forward (the leading `_`).
    x = annotation_feature
    src = annotation_edges[0]
    dst = annotation_edges[1]
    n = x.shape[0]
    deg = jnp.zeros((n,), x.dtype).at[dst].add(1.0)
    deg = jnp.maximum(deg, 1.0)
    num_layers = W_rel.shape[0]
    num_rel = W_rel.shape[1]
    for l in range(num_layers):
        # HetSemGCN layer: relation-typed message passing (RGCN-style)
        agg = jnp.zeros_like(x)
        for r in range(num_rel):
            h_r = x @ W_rel[l, r]
            mask = (annotation_edges_type == r).astype(x.dtype)
            agg = agg.at[dst].add(h_r[src] * mask[:, None])
        h = agg / deg[:, None] + x @ W_self[l]
        h = jax.nn.relu(h)
        # residual + LayerNorm
        x = _layer_norm(h + x, ln_gamma[l], ln_beta[l])
    return x

if __name__ == "__main__":
    import jax
    _d = setup_inputs()
    print(jax.jit(kernel)(*tuple(_d.values())))

</pallas_src>

<mosaic_0001>
#map = affine_map<(d0, d1) -> (0)>
#map1 = affine_map<(d0, d1) -> (0, 0, 0)>
module attributes {stable_mosaic.version = 14 : i64} {
  func.func @body(%arg0: i32, %arg1: i32, %arg2: memref<323584xi32, #tpu.memory_space<hbm>>, %arg3: memref<2x10112x128xf32, #tpu.memory_space<hbm>>, %arg4: memref<128xi32, #tpu.memory_space<vmem>>, %arg5: memref<128x128xf32, #tpu.memory_space<vmem>>, %arg6: memref<10112x128xf32, #tpu.memory_space<vmem_shared>>, %arg7: memref<!tpu.dma_semaphore, #tpu.memory_space<semaphore_mem>>) attributes {dimension_semantics = [#tpu.dimension_semantics<core_parallel>, #tpu.dimension_semantics<subcore_parallel>], iteration_bounds = array<i64: 2, 16>, scalar_prefetch = 0 : i64, scratch_operands = 4 : i64, tpu.core_type = #tpu.core_type<sc_vector_subcore>, window_params = [{transform_indices = #map}, {transform_indices = #map1}]} {
    %mul3A = arith.constant 16 : i32
    %mul3A_0 = arith.muli %arg0, %mul3A : i32
    %add3A = arith.addi %mul3A_0, %arg1 : i32
    %mul3A_1 = arith.constant 632 : i32
    %mul3A_2 = arith.muli %arg1, %mul3A_1 : i32
    %scan3A = arith.constant 0 : i32
    %scan3A_3 = arith.constant 0 : i32
    %scan3A_4 = arith.constant 128 : i32
    %scan3A_5 = arith.addi %scan3A_3, %scan3A_4 : i32
    %scan3A_6 = arith.constant 1 : i32
    %scan3A_7 = scf.for %scan3A_34 = %scan3A_3 to %scan3A_5 step %scan3A_6 iter_args(%scan3A_35 = %scan3A) -> (i32)  : i32 {
      %broadcast_in_dim3A = arith.constant 0.000000e+00 : f32
      %broadcast_in_dim3A_36 = vector.broadcast %broadcast_in_dim3A : f32 to vector<16xf32>
      %swap3A = arith.index_cast %scan3A_34 : i32 to index
      %swap3A_37 = arith.constant 0 : index
      %swap3A_38 = tpu.vector_load %arg5[%swap3A, %swap3A_37] {strides = array<i32>} : memref<128x128xf32, #tpu.memory_space<vmem>>, vector<1x16xf32>,
      %swap3A_39 = vector.shape_cast %swap3A_38 : vector<1x16xf32> to vector<16xf32>
      %swap3A_40 = vector.shape_cast %broadcast_in_dim3A_36 : vector<16xf32> to vector<1x16xf32>
      tpu.vector_store %arg5[%swap3A, %swap3A_37], %swap3A_40 {strides = array<i32>} : memref<128x128xf32, #tpu.memory_space<vmem>>, vector<1x16xf32>,
      %broadcast_in_dim3A_41 = arith.constant 0.000000e+00 : f32
      %broadcast_in_dim3A_42 = vector.broadcast %broadcast_in_dim3A_41 : f32 to vector<16xf32>
      %swap3A_43 = arith.index_cast %scan3A_34 : i32 to index
      %swap3A_44 = arith.constant 16 : index
      %swap3A_45 = tpu.vector_load %arg5[%swap3A_43, %swap3A_44] {strides = array<i32>} : memref<128x128xf32, #tpu.memory_space<vmem>>, vector<1x16xf32>,
      %swap3A_46 = vector.shape_cast %swap3A_45 : vector<1x16xf32> to vector<16xf32>
      %swap3A_47 = vector.shape_cast %broadcast_in_dim3A_42 : vector<16xf32> to vector<1x16xf32>
      tpu.vector_store %arg5[%swap3A_43, %swap3A_44], %swap3A_47 {strides = array<i32>} : memref<128x128xf32, #tpu.memory_space<vmem>>, vector<1x16xf32>,
      %broadcast_in_dim3A_48 = arith.constant 0.000000e+00 : f32
      %broadcast_in_dim3A_49 = vector.broadcast %broadcast_in_dim3A_48 : f32 to vector<16xf32>
      %swap3A_50 = arith.index_cast %scan3A_34 : i32 to index
      %swap3A_51 = arith.constant 32 : index
      %swap3A_52 = tpu.vector_load %arg5[%swap3A_50, %swap3A_51] {strides = array<i32>} : memref<128x128xf32, #tpu.memory_space<vmem>>, vector<1x16xf32>,
      %swap3A_53 = vector.shape_cast %swap3A_52 : vector<1x16xf32> to vector<16xf32>
      %swap3A_54 = vector.shape_cast %broadcast_in_dim3A_49 : vector<16xf32> to vector<1x16xf32>
      tpu.vector_store %arg5[%swap3A_50, %swap3A_51], %swap3A_54 {strides = array<i32>} : memref<128x128xf32, #tpu.memory_space<vmem>>, vector<1x16xf32>,
      %broadcast_in_dim3A_55 = arith.constant 0.000000e+00 : f32
      %broadcast_in_dim3A_56 = vector.broadcast %broadcast_in_dim3A_55 : f32 to vector<16xf32>
      %swap3A_57 = arith.index_cast %scan3A_34 : i32 to index
      %swap3A_58 = arith.constant 48 : index
      %swap3A_59 = tpu.vector_load %arg5[%swap3A_57, %swap3A_58] {strides = array<i32>} : memref<128x128xf32, #tpu.memory_space<vmem>>, vector<1x16xf32>,
      %swap3A_60 = vector.shape_cast %swap3A_59 : vector<1x16xf32> to vector<16xf32>
      %swap3A_61 = vector.shape_cast %broadcast_in_dim3A_56 : vector<16xf32> to vector<1x16xf32>
      tpu.vector_store %arg5[%swap3A_57, %swap3A_58], %swap3A_61 {strides = array<i32>} : memref<128x128xf32, #tpu.memory_space<vmem>>, vector<1x16xf32>,
      %broadcast_in_dim3A_62 = arith.constant 0.000000e+00 : f32
      %broadcast_in_dim3A_63 = vector.broadcast %broadcast_in_dim3A_62 : f32 to vector<16xf32>
      %swap3A_64 = arith.index_cast %scan3A_34 : i32 to index
      %swap3A_65 = arith.constant 64 : index
      %swap3A_66 = tpu.vector_load %arg5[%swap3A_64, %swap3A_65] {strides = array<i32>} : memref<128x128xf32, #tpu.memory_space<vmem>>, vector<1x16xf32>,
      %swap3A_67 = vector.shape_cast %swap3A_66 : vector<1x16xf32> to vector<16xf32>
      %swap3A_68 = vector.shape_cast %broadcast_in_dim3A_63 : vector<16xf32> to vector<1x16xf32>
      tpu.vector_store %arg5[%swap3A_64, %swap3A_65], %swap3A_68 {strides = array<i32>} : memref<128x128xf32, #tpu.memory_space<vmem>>, vector<1x16xf32>,
      %broadcast_in_dim3A_69 = arith.constant 0.000000e+00 : f32
      %broadcast_in_dim3A_70 = vector.broadcast %broadcast_in_dim3A_69 : f32 to vector<16xf32>
      %swap3A_71 = arith.index_cast %scan3A_34 : i32 to index
      %swap3A_72 = arith.constant 80 : index
      %swap3A_73 = tpu.vector_load %arg5[%swap3A_71, %swap3A_72] {strides = array<i32>} : memref<128x128xf32, #tpu.memory_space<vmem>>, vector<1x16xf32>,
      %swap3A_74 = vector.shape_cast %swap3A_73 : vector<1x16xf32> to vector<16xf32>
      %swap3A_75 = vector.shape_cast %broadcast_in_dim3A_70 : vector<16xf32> to vector<1x16xf32>
      tpu.vector_store %arg5[%swap3A_71, %swap3A_72], %swap3A_75 {strides = array<i32>} : memref<128x128xf32, #tpu.memory_space<vmem>>, vector<1x16xf32>,
      %broadcast_in_dim3A_76 = arith.constant 0.000000e+00 : f32
      %broadcast_in_dim3A_77 = vector.broadcast %broadcast_in_dim3A_76 : f32 to vector<16xf32>
      %swap3A_78 = arith.index_cast %scan3A_34 : i32 to index
      %swap3A_79 = arith.constant 96 : index
      %swap3A_80 = tpu.vector_load %arg5[%swap3A_78, %swap3A_79] {strides = array<i32>} : memref<128x128xf32, #tpu.memory_space<vmem>>, vector<1x16xf32>,
      %swap3A_81 = vector.shape_cast %swap3A_80 : vector<1x16xf32> to vector<16xf32>
      %swap3A_82 = vector.shape_cast %broadcast_in_dim3A_77 : vector<16xf32> to vector<1x16xf32>
      tpu.vector_store %arg5[%swap3A_78, %swap3A_79], %swap3A_82 {strides = array<i32>} : memref<128x128xf32, #tpu.memory_space<vmem>>, vector<1x16xf32>,
      %broadcast_in_dim3A_83 = arith.constant 0.000000e+00 : f32
      %broadcast_in_dim3A_84 = vector.broadcast %broadcast_in_dim3A_83 : f32 to vector<16xf32>
      %swap3A_85 = arith.index_cast %scan3A_34 : i32 to index
      %swap3A_86 = arith.constant 112 : index
      %swap3A_87 = tpu.vector_load %arg5[%swap3A_85, %swap3A_86] {strides = array<i32>} : memref<128x128xf32, #tpu.memory_space<vmem>>, vector<1x16xf32>,
      %swap3A_88 = vector.shape_cast %swap3A_87 : vector<1x16xf32> to vector<16xf32>
      %swap3A_89 = vector.shape_cast %broadcast_in_dim3A_84 : vector<16xf32> to vector<1x16xf32>
      tpu.vector_store %arg5[%swap3A_85, %swap3A_86], %swap3A_89 {strides = array<i32>} : memref<128x128xf32, #tpu.memory_space<vmem>>, vector<1x16xf32>,
      %scan3A_90 = arith.constant 0 : i32
      scf.yield %scan3A_90 : i32
    }
    %scan3A_8 = arith.constant 128 : i32
    %add3A_9 = arith.constant 0 : i32
    %add3A_10 = arith.addi %mul3A_2, %add3A_9 : i32
    "tpu.region"() ({
      %run_scoped3A = tpu.sem_alloc : memref<!tpu.dma_semaphore, #tpu.memory_space<semaphore_mem>>
      %dma_start3A = arith.constant 0 : i32
      %dma_start3A_34 = tpu.memref_slice %arg6[%add3A_10, %dma_start3A] : memref<10112x128xf32, #tpu.memory_space<vmem_shared>> -> memref<128x128xf32, #tpu.memory_space<vmem_shared>>
      %dma_start3A_35 = arith.constant 0 : i32
      %dma_start3A_36 = tpu.memref_slice %arg6[%add3A_10, %dma_start3A_35] : memref<10112x128xf32, #tpu.memory_space<vmem_shared>> -> memref<128x128xf32, #tpu.memory_space<vmem_shared>>
      tpu.enqueue_dma source(%arg5 : memref<128x128xf32, #tpu.memory_space<vmem>>) target(%dma_start3A_36 : memref<128x128xf32, #tpu.memory_space<vmem_shared>>) target_semaphore(%run_scoped3A : memref<!tpu.dma_semaphore, #tpu.memory_space<semaphore_mem>>)
      %dma_wait3A = arith.constant 0 : i32
      %dma_wait3A_37 = tpu.memref_slice %arg6[%add3A_10, %dma_wait3A] : memref<10112x128xf32, #tpu.memory_space<vmem_shared>> -> memref<128x128xf32, #tpu.memory_space<vmem_shared>>
      %dma_wait3A_38 = arith.constant 0 : i32
      %dma_wait3A_39 = tpu.memref_slice %arg6[%add3A_10, %dma_wait3A_38] : memref<10112x128xf32, #tpu.memory_space<vmem_shared>> -> memref<128x128xf32, #tpu.memory_space<vmem_shared>>
      tpu.wait_dma2 semaphore(%run_scoped3A : memref<!tpu.dma_semaphore, #tpu.memory_space<semaphore_mem>>) src(%arg5 : memref<128x128xf32, #tpu.memory_space<vmem>>) dst(%dma_wait3A_39 : memref<128x128xf32, #tpu.memory_space<vmem_shared>>)
      tpu.yield
    }) : () -> ()
    %add3A_11 = arith.constant 128 : i32
    %add3A_12 = arith.addi %mul3A_2, %add3A_11 : i32
    "tpu.region"() ({
      %run_scoped3A = tpu.sem_alloc : memref<!tpu.dma_semaphore, #tpu.memory_space<semaphore_mem>>
      %dma_start3A = arith.constant 0 : i32
      %dma_start3A_34 = tpu.memref_slice %arg6[%add3A_12, %dma_start3A] : memref<10112x128xf32, #tpu.memory_space<vmem_shared>> -> memref<128x128xf32, #tpu.memory_space<vmem_shared>>
      %dma_start3A_35 = arith.constant 0 : i32
      %dma_start3A_36 = tpu.memref_slice %arg6[%add3A_12, %dma_start3A_35] : memref<10112x128xf32, #tpu.memory_space<vmem_shared>> -> memref<128x128xf32, #tpu.memory_space<vmem_shared>>
      tpu.enqueue_dma source(%arg5 : memref<128x128xf32, #tpu.memory_space<vmem>>) target(%dma_start3A_36 : memref<128x128xf32, #tpu.memory_space<vmem_shared>>) target_semaphore(%run_scoped3A : memref<!tpu.dma_semaphore, #tpu.memory_space<semaphore_mem>>)
      %dma_wait3A = arith.constant 0 : i32
      %dma_wait3A_37 = tpu.memref_slice %arg6[%add3A_12, %dma_wait3A] : memref<10112x128xf32, #tpu.memory_space<vmem_shared>> -> memref<128x128xf32, #tpu.memory_space<vmem_shared>>
      %dma_wait3A_38 = arith.constant 0 : i32
      %dma_wait3A_39 = tpu.memref_slice %arg6[%add3A_12, %dma_wait3A_38] : memref<10112x128xf32, #tpu.memory_space<vmem_shared>> -> memref<128x128xf32, #tpu.memory_space<vmem_shared>>
      tpu.wait_dma2 semaphore(%run_scoped3A : memref<!tpu.dma_semaphore, #tpu.memory_space<semaphore_mem>>) src(%arg5 : memref<128x128xf32, #tpu.memory_space<vmem>>) dst(%dma_wait3A_39 : memref<128x128xf32, #tpu.memory_space<vmem_shared>>)
      tpu.yield
    }) : () -> ()
    %add3A_13 = arith.constant 256 : i32
    %add3A_14 = arith.addi %mul3A_2, %add3A_13 : i32
    "tpu.region"() ({
      %run_scoped3A = tpu.sem_alloc : memref<!tpu.dma_semaphore, #tpu.memory_space<semaphore_mem>>
      %dma_start3A = arith.constant 0 : i32
      %dma_start3A_34 = tpu.memref_slice %arg6[%add3A_14, %dma_start3A] : memref<10112x128xf32, #tpu.memory_space<vmem_shared>> -> memref<128x128xf32, #tpu.memory_space<vmem_shared>>
      %dma_start3A_35 = arith.constant 0 : i32
      %dma_start3A_36 = tpu.memref_slice %arg6[%add3A_14, %dma_start3A_35] : memref<10112x128xf32, #tpu.memory_space<vmem_shared>> -> memref<128x128xf32, #tpu.memory_space<vmem_shared>>
      tpu.enqueue_dma source(%arg5 : memref<128x128xf32, #tpu.memory_space<vmem>>) target(%dma_start3A_36 : memref<128x128xf32, #tpu.memory_space<vmem_shared>>) target_semaphore(%run_scoped3A : memref<!tpu.dma_semaphore, #tpu.memory_space<semaphore_mem>>)
      %dma_wait3A = arith.constant 0 : i32
      %dma_wait3A_37 = tpu.memref_slice %arg6[%add3A_14, %dma_wait3A] : memref<10112x128xf32, #tpu.memory_space<vmem_shared>> -> memref<128x128xf32, #tpu.memory_space<vmem_shared>>
      %dma_wait3A_38 = arith.constant 0 : i32
      %dma_wait3A_39 = tpu.memref_slice %arg6[%add3A_14, %dma_wait3A_38] : memref<10112x128xf32, #tpu.memory_space<vmem_shared>> -> memref<128x128xf32, #tpu.memory_space<vmem_shared>>
      tpu.wait_dma2 semaphore(%run_scoped3A : memref<!tpu.dma_semaphore, #tpu.memory_space<semaphore_mem>>) src(%arg5 : memref<128x128xf32, #tpu.memory_space<vmem>>) dst(%dma_wait3A_39 : memref<128x128xf32, #tpu.memory_space<vmem_shared>>)
      tpu.yield
    }) : () -> ()
    %add3A_15 = arith.constant 384 : i32
    %add3A_16 = arith.addi %mul3A_2, %add3A_15 : i32
    "tpu.region"() ({
      %run_scoped3A = tpu.sem_alloc : memref<!tpu.dma_semaphore, #tpu.memory_space<semaphore_mem>>
      %dma_start3A = arith.constant 0 : i32
      %dma_start3A_34 = tpu.memref_slice %arg6[%add3A_16, %dma_start3A] : memref<10112x128xf32, #tpu.memory_space<vmem_shared>> -> memref<128x128xf32, #tpu.memory_space<vmem_shared>>
      %dma_start3A_35 = arith.constant 0 : i32
      %dma_start3A_36 = tpu.memref_slice %arg6[%add3A_16, %dma_start3A_35] : memref<10112x128xf32, #tpu.memory_space<vmem_shared>> -> memref<128x128xf32, #tpu.memory_space<vmem_shared>>
      tpu.enqueue_dma source(%arg5 : memref<128x128xf32, #tpu.memory_space<vmem>>) target(%dma_start3A_36 : memref<128x128xf32, #tpu.memory_space<vmem_shared>>) target_semaphore(%run_scoped3A : memref<!tpu.dma_semaphore, #tpu.memory_space<semaphore_mem>>)
      %dma_wait3A = arith.constant 0 : i32
      %dma_wait3A_37 = tpu.memref_slice %arg6[%add3A_16, %dma_wait3A] : memref<10112x128xf32, #tpu.memory_space<vmem_shared>> -> memref<128x128xf32, #tpu.memory_space<vmem_shared>>
      %dma_wait3A_38 = arith.constant 0 : i32
      %dma_wait3A_39 = tpu.memref_slice %arg6[%add3A_16, %dma_wait3A_38] : memref<10112x128xf32, #tpu.memory_space<vmem_shared>> -> memref<128x128xf32, #tpu.memory_space<vmem_shared>>
      tpu.wait_dma2 semaphore(%run_scoped3A : memref<!tpu.dma_semaphore, #tpu.memory_space<semaphore_mem>>) src(%arg5 : memref<128x128xf32, #tpu.memory_space<vmem>>) dst(%dma_wait3A_39 : memref<128x128xf32, #tpu.memory_space<vmem_shared>>)
      tpu.yield
    }) : () -> ()
    %add3A_17 = arith.constant 512 : i32
    %add3A_18 = arith.addi %mul3A_2, %add3A_17 : i32
    "tpu.region"() ({
      %run_scoped3A = tpu.sem_alloc : memref<!tpu.dma_semaphore, #tpu.memory_space<semaphore_mem>>
      %dma_start3A = arith.constant 0 : i32
      %dma_start3A_34 = arith.constant 0 : i32
      %dma_start3A_35 = tpu.memref_slice %arg5[%dma_start3A, %dma_start3A_34] : memref<128x128xf32, #tpu.memory_space<vmem>> -> memref<120x128xf32, #tpu.memory_space<vmem>>
      %dma_start3A_36 = arith.constant 0 : i32
      %dma_start3A_37 = tpu.memref_slice %arg6[%add3A_18, %dma_start3A_36] : memref<10112x128xf32, #tpu.memory_space<vmem_shared>> -> memref<120x128xf32, #tpu.memory_space<vmem_shared>>
      %dma_start3A_38 = arith.constant 0 : i32
      %dma_start3A_39 = tpu.memref_slice %arg6[%add3A_18, %dma_start3A_38] : memref<10112x128xf32, #tpu.memory_space<vmem_shared>> -> memref<120x128xf32, #tpu.memory_space<vmem_shared>>
      %dma_start3A_40 = arith.constant 0 : i32
      %dma_start3A_41 = arith.constant 0 : i32
      %dma_start3A_42 = tpu.memref_slice %arg5[%dma_start3A_40, %dma_start3A_41] : memref<128x128xf32, #tpu.memory_space<vmem>> -> memref<120x128xf32, #tpu.memory_space<vmem>>
      tpu.enqueue_dma source(%dma_start3A_42 : memref<120x128xf32, #tpu.memory_space<vmem>>) target(%dma_start3A_39 : memref<120x128xf32, #tpu.memory_space<vmem_shared>>) target_semaphore(%run_scoped3A : memref<!tpu.dma_semaphore, #tpu.memory_space<semaphore_mem>>)
      %dma_wait3A = arith.constant 0 : i32
      %dma_wait3A_43 = arith.constant 0 : i32
      %dma_wait3A_44 = tpu.memref_slice %arg5[%dma_wait3A, %dma_wait3A_43] : memref<128x128xf32, #tpu.memory_space<vmem>> -> memref<120x128xf32, #tpu.memory_space<vmem>>
      %dma_wait3A_45 = arith.constant 0 : i32
      %dma_wait3A_46 = tpu.memref_slice %arg6[%add3A_18, %dma_wait3A_45] : memref<10112x128xf32, #tpu.memory_space<vmem_shared>> -> memref<120x128xf32, #tpu.memory_space<vmem_shared>>
      %dma_wait3A_47 = arith.constant 0 : i32
      %dma_wait3A_48 = tpu.memref_slice %arg6[%add3A_18, %dma_wait3A_47] : memref<10112x128xf32, #tpu.memory_space<vmem_shared>> -> memref<120x128xf32, #tpu.memory_space<vmem_shared>>
      %dma_wait3A_49 = arith.constant 0 : i32
      %dma_wait3A_50 = arith.constant 0 : i32
      %dma_wait3A_51 = tpu.memref_slice %arg5[%dma_wait3A_49, %dma_wait3A_50] : memref<128x128xf32, #tpu.memory_space<vmem>> -> memref<120x128xf32, #tpu.memory_space<vmem>>
      tpu.wait_dma2 semaphore(%run_scoped3A : memref<!tpu.dma_semaphore, #tpu.memory_space<semaphore_mem>>) src(%dma_wait3A_51 : memref<120x128xf32, #tpu.memory_space<vmem>>) dst(%dma_wait3A_48 : memref<120x128xf32, #tpu.memory_space<vmem_shared>>)
      tpu.yield
    }) : () -> ()
    %barrier3A = arith.constant 0 : index
    tpu.barrier barrier_id(%barrier3A)
    %scan3A_19 = arith.constant 0 : i32
    %scan3A_20 = arith.constant 0 : i32
    %scan3A_21 = arith.constant 128 : i32
    %scan3A_22 = arith.addi %scan3A_20, %scan3A_21 : i32
    %scan3A_23 = arith.constant 1 : i32
    %scan3A_24 = scf.for %scan3A_34 = %scan3A_20 to %scan3A_22 step %scan3A_23 iter_args(%scan3A_35 = %scan3A_19) -> (i32)  : i32 {
      %broadcast_in_dim3A = arith.constant 1.000000e+00 : f32
      %broadcast_in_dim3A_36 = vector.broadcast %broadcast_in_dim3A : f32 to vector<16xf32>
      %swap3A = arith.index_cast %scan3A_34 : i32 to index
      %swap3A_37 = arith.constant 0 : index
      %swap3A_38 = tpu.vector_load %arg5[%swap3A, %swap3A_37] {strides = array<i32>} : memref<128x128xf32, #tpu.memory_space<vmem>>, vector<1x16xf32>,
      %swap3A_39 = vector.shape_cast %swap3A_38 : vector<1x16xf32> to vector<16xf32>
      %swap3A_40 = vector.shape_cast %broadcast_in_dim3A_36 : vector<16xf32> to vector<1x16xf32>
      tpu.vector_store %arg5[%swap3A, %swap3A_37], %swap3A_40 {strides = array<i32>} : memref<128x128xf32, #tpu.memory_space<vmem>>, vector<1x16xf32>,
      %broadcast_in_dim3A_41 = arith.constant 1.000000e+00 : f32
      %broadcast_in_dim3A_42 = vector.broadcast %broadcast_in_dim3A_41 : f32 to vector<16xf32>
      %swap3A_43 = arith.index_cast %scan3A_34 : i32 to index
      %swap3A_44 = arith.constant 16 : index
      %swap3A_45 = tpu.vector_load %arg5[%swap3A_43, %swap3A_44] {strides = array<i32>} : memref<128x128xf32, #tpu.memory_space<vmem>>, vector<1x16xf32>,
      %swap3A_46 = vector.shape_cast %swap3A_45 : vector<1x16xf32> to vector<16xf32>
      %swap3A_47 = vector.shape_cast %broadcast_in_dim3A_42 : vector<16xf32> to vector<1x16xf32>
      tpu.vector_store %arg5[%swap3A_43, %swap3A_44], %swap3A_47 {strides = array<i32>} : memref<128x128xf32, #tpu.memory_space<vmem>>, vector<1x16xf32>,
      %broadcast_in_dim3A_48 = arith.constant 1.000000e+00 : f32
      %broadcast_in_dim3A_49 = vector.broadcast %broadcast_in_dim3A_48 : f32 to vector<16xf32>
      %swap3A_50 = arith.index_cast %scan3A_34 : i32 to index
      %swap3A_51 = arith.constant 32 : index
      %swap3A_52 = tpu.vector_load %arg5[%swap3A_50, %swap3A_51] {strides = array<i32>} : memref<128x128xf32, #tpu.memory_space<vmem>>, vector<1x16xf32>,
      %swap3A_53 = vector.shape_cast %swap3A_52 : vector<1x16xf32> to vector<16xf32>
      %swap3A_54 = vector.shape_cast %broadcast_in_dim3A_49 : vector<16xf32> to vector<1x16xf32>
      tpu.vector_store %arg5[%swap3A_50, %swap3A_51], %swap3A_54 {strides = array<i32>} : memref<128x128xf32, #tpu.memory_space<vmem>>, vector<1x16xf32>,
      %broadcast_in_dim3A_55 = arith.constant 1.000000e+00 : f32
      %broadcast_in_dim3A_56 = vector.broadcast %broadcast_in_dim3A_55 : f32 to vector<16xf32>
      %swap3A_57 = arith.index_cast %scan3A_34 : i32 to index
      %swap3A_58 = arith.constant 48 : index
      %swap3A_59 = tpu.vector_load %arg5[%swap3A_57, %swap3A_58] {strides = array<i32>} : memref<128x128xf32, #tpu.memory_space<vmem>>, vector<1x16xf32>,
      %swap3A_60 = vector.shape_cast %swap3A_59 : vector<1x16xf32> to vector<16xf32>
      %swap3A_61 = vector.shape_cast %broadcast_in_dim3A_56 : vector<16xf32> to vector<1x16xf32>
      tpu.vector_store %arg5[%swap3A_57, %swap3A_58], %swap3A_61 {strides = array<i32>} : memref<128x128xf32, #tpu.memory_space<vmem>>, vector<1x16xf32>,
      %broadcast_in_dim3A_62 = arith.constant 1.000000e+00 : f32
      %broadcast_in_dim3A_63 = vector.broadcast %broadcast_in_dim3A_62 : f32 to vector<16xf32>
      %swap3A_64 = arith.index_cast %scan3A_34 : i32 to index
      %swap3A_65 = arith.constant 64 : index
      %swap3A_66 = tpu.vector_load %arg5[%swap3A_64, %swap3A_65] {strides = array<i32>} : memref<128x128xf32, #tpu.memory_space<vmem>>, vector<1x16xf32>,
      %swap3A_67 = vector.shape_cast %swap3A_66 : vector<1x16xf32> to vector<16xf32>
      %swap3A_68 = vector.shape_cast %broadcast_in_dim3A_63 : vector<16xf32> to vector<1x16xf32>
      tpu.vector_store %arg5[%swap3A_64, %swap3A_65], %swap3A_68 {strides = array<i32>} : memref<128x128xf32, #tpu.memory_space<vmem>>, vector<1x16xf32>,
      %broadcast_in_dim3A_69 = arith.constant 1.000000e+00 : f32
      %broadcast_in_dim3A_70 = vector.broadcast %broadcast_in_dim3A_69 : f32 to vector<16xf32>
      %swap3A_71 = arith.index_cast %scan3A_34 : i32 to index
      %swap3A_72 = arith.constant 80 : index
      %swap3A_73 = tpu.vector_load %arg5[%swap3A_71, %swap3A_72] {strides = array<i32>} : memref<128x128xf32, #tpu.memory_space<vmem>>, vector<1x16xf32>,
      %swap3A_74 = vector.shape_cast %swap3A_73 : vector<1x16xf32> to vector<16xf32>
      %swap3A_75 = vector.shape_cast %broadcast_in_dim3A_70 : vector<16xf32> to vector<1x16xf32>
      tpu.vector_store %arg5[%swap3A_71, %swap3A_72], %swap3A_75 {strides = array<i32>} : memref<128x128xf32, #tpu.memory_space<vmem>>, vector<1x16xf32>,
      %broadcast_in_dim3A_76 = arith.constant 1.000000e+00 : f32
      %broadcast_in_dim3A_77 = vector.broadcast %broadcast_in_dim3A_76 : f32 to vector<16xf32>
      %swap3A_78 = arith.index_cast %scan3A_34 : i32 to index
      %swap3A_79 = arith.constant 96 : index
      %swap3A_80 = tpu.vector_load %arg5[%swap3A_78, %swap3A_79] {strides = array<i32>} : memref<128x128xf32, #tpu.memory_space<vmem>>, vector<1x16xf32>,
      %swap3A_81 = vector.shape_cast %swap3A_80 : vector<1x16xf32> to vector<16xf32>
      %swap3A_82 = vector.shape_cast %broadcast_in_dim3A_77 : vector<16xf32> to vector<1x16xf32>
      tpu.vector_store %arg5[%swap3A_78, %swap3A_79], %swap3A_82 {strides = array<i32>} : memref<128x128xf32, #tpu.memory_space<vmem>>, vector<1x16xf32>,
      %broadcast_in_dim3A_83 = arith.constant 1.000000e+00 : f32
      %broadcast_in_dim3A_84 = vector.broadcast %broadcast_in_dim3A_83 : f32 to vector<16xf32>
      %swap3A_85 = arith.index_cast %scan3A_34 : i32 to index
      %swap3A_86 = arith.constant 112 : index
      %swap3A_87 = tpu.vector_load %arg5[%swap3A_85, %swap3A_86] {strides = array<i32>} : memref<128x128xf32, #tpu.memory_space<vmem>>, vector<1x16xf32>,
      %swap3A_88 = vector.shape_cast %swap3A_87 : vector<1x16xf32> to vector<16xf32>
      %swap3A_89 = vector.shape_cast %broadcast_in_dim3A_84 : vector<16xf32> to vector<1x16xf32>
      tpu.vector_store %arg5[%swap3A_85, %swap3A_86], %swap3A_89 {strides = array<i32>} : memref<128x128xf32, #tpu.memory_space<vmem>>, vector<1x16xf32>,
      %scan3A_90 = arith.constant 0 : i32
      scf.yield %scan3A_90 : i32
    }
    %scan3A_25 = arith.constant 128 : i32
    %scan3A_26 = arith.constant 0 : i32
    %scan3A_27 = arith.constant 0 : i32
    %scan3A_28 = arith.constant 79 : i32
    %scan3A_29 = arith.addi %scan3A_27, %scan3A_28 : i32
    %scan3A_30 = arith.constant 1 : i32
    %scan3A_31 = scf.for %scan3A_34 = %scan3A_27 to %scan3A_29 step %scan3A_30 iter_args(%scan3A_35 = %scan3A_26) -> (i32)  : i32 {
      %mul3A_36 = arith.constant 10112 : i32
      %mul3A_37 = arith.muli %add3A, %mul3A_36 : i32
      %mul3A_38 = arith.constant 128 : i32
      %mul3A_39 = arith.muli %scan3A_34, %mul3A_38 : i32
      %add3A_40 = arith.addi %mul3A_37, %mul3A_39 : i32
      "tpu.region"() ({
        %run_scoped3A = tpu.sem_alloc : memref<!tpu.dma_semaphore, #tpu.memory_space<semaphore_mem>>
        %dma_start3A = tpu.memref_slice %arg2[%add3A_40] : memref<323584xi32, #tpu.memory_space<hbm>> -> memref<128xi32, #tpu.memory_space<hbm>>
        %dma_start3A_42 = tpu.memref_slice %arg2[%add3A_40] : memref<323584xi32, #tpu.memory_space<hbm>> -> memref<128xi32, #tpu.memory_space<hbm>>
        tpu.enqueue_dma source(%dma_start3A_42 : memref<128xi32, #tpu.memory_space<hbm>>) target(%arg4 : memref<128xi32, #tpu.memory_space<vmem>>) target_semaphore(%run_scoped3A : memref<!tpu.dma_semaphore, #tpu.memory_space<semaphore_mem>>)
        %dma_wait3A = tpu.memref_slice %arg2[%add3A_40] : memref<323584xi32, #tpu.memory_space<hbm>> -> memref<128xi32, #tpu.memory_space<hbm>>
        %dma_wait3A_43 = tpu.memref_slice %arg2[%add3A_40] : memref<323584xi32, #tpu.memory_space<hbm>> -> memref<128xi32, #tpu.memory_space<hbm>>
        tpu.wait_dma2 semaphore(%run_scoped3A : memref<!tpu.dma_semaphore, #tpu.memory_space<semaphore_mem>>) src(%dma_wait3A_43 : memref<128xi32, #tpu.memory_space<hbm>>) dst(%arg4 : memref<128xi32, #tpu.memory_space<vmem>>)
        tpu.yield
      }) : () -> ()
      "tpu.region"() ({
        %run_scoped3A = tpu.sem_alloc : memref<!tpu.dma_semaphore, #tpu.memory_space<semaphore_mem>>
        %dma_start3A = arith.constant 0 : i32
        %dma_start3A_42 = arith.constant 0 : i32
        %dma_start3A_43 = tpu.memref_slice %arg6[%dma_start3A, %dma_start3A_42] : memref<10112x128xf32, #tpu.memory_space<vmem_shared>> -> memref<10112x128xf32, #tpu.memory_space<vmem_shared>>
        tpu.enqueue_indirect_dma source(%arg5 : memref<128x128xf32, #tpu.memory_space<vmem>>) target(%dma_start3A_43 : memref<10112x128xf32, #tpu.memory_space<vmem_shared>>) offsets(%arg4 : memref<128xi32, #tpu.memory_space<vmem>>) semaphore(%run_scoped3A : memref<!tpu.dma_semaphore, #tpu.memory_space<semaphore_mem>>) {add = true}
        %dma_wait3A = arith.constant 0 : i32
        %dma_wait3A_44 = arith.constant 0 : i32
        %dma_wait3A_45 = tpu.memref_slice %arg6[%dma_wait3A, %dma_wait3A_44] : memref<10112x128xf32, #tpu.memory_space<vmem_shared>> -> memref<10112x128xf32, #tpu.memory_space<vmem_shared>>
        tpu.wait_indirect_dma semaphore(%run_scoped3A : memref<!tpu.dma_semaphore, #tpu.memory_space<semaphore_mem>>) src(%arg5 : memref<128x128xf32, #tpu.memory_space<vmem>>) dst(%dma_wait3A_45 : memref<10112x128xf32, #tpu.memory_space<vmem_shared>>)
        tpu.yield
      }) : () -> ()
      %scan3A_41 = arith.constant 0 : i32
      scf.yield %scan3A_41 : i32
    }
    %scan3A_32 = arith.constant 79 : i32
    %barrier3A_33 = arith.constant 0 : index
    tpu.barrier barrier_id(%barrier3A_33)
    "tpu.region"() ({
      %run_scoped3A = tpu.sem_alloc : memref<!tpu.dma_semaphore, #tpu.memory_space<semaphore_mem>>
      %dma_start3A = arith.constant 0 : i32
      %dma_start3A_34 = tpu.memref_slice %arg3[%arg0, %mul3A_2, %dma_start3A] : memref<2x10112x128xf32, #tpu.memory_space<hbm>> -> memref<1x632x128xf32, #tpu.memory_space<hbm>>
      %dma_start3A_35 = tpu.memref_squeeze %dma_start3A_34 : memref<1x632x128xf32, #tpu.memory_space<hbm>> -> memref<632x128xf32, #tpu.memory_space<hbm>>
      %dma_start3A_36 = arith.constant 0 : i32
      %dma_start3A_37 = tpu.memref_slice %arg6[%mul3A_2, %dma_start3A_36] : memref<10112x128xf32, #tpu.memory_space<vmem_shared>> -> memref<632x128xf32, #tpu.memory_space<vmem_shared>>
      tpu.enqueue_dma source(%dma_start3A_37 : memref<632x128xf32, #tpu.memory_space<vmem_shared>>) target(%dma_start3A_35 : memref<632x128xf32, #tpu.memory_space<hbm>>) target_semaphore(%run_scoped3A : memref<!tpu.dma_semaphore, #tpu.memory_space<semaphore_mem>>)
      %dma_wait3A = arith.constant 0 : i32
      %dma_wait3A_38 = tpu.memref_slice %arg3[%arg0, %mul3A_2, %dma_wait3A] : memref<2x10112x128xf32, #tpu.memory_space<hbm>> -> memref<1x632x128xf32, #tpu.memory_space<hbm>>
      %dma_wait3A_39 = tpu.memref_squeeze %dma_wait3A_38 : memref<1x632x128xf32, #tpu.memory_space<hbm>> -> memref<632x128xf32, #tpu.memory_space<hbm>>
      %dma_wait3A_40 = arith.constant 0 : i32
      %dma_wait3A_41 = tpu.memref_slice %arg6[%mul3A_2, %dma_wait3A_40] : memref<10112x128xf32, #tpu.memory_space<vmem_shared>> -> memref<632x128xf32, #tpu.memory_space<vmem_shared>>
      tpu.wait_dma2 semaphore(%run_scoped3A : memref<!tpu.dma_semaphore, #tpu.memory_space<semaphore_mem>>) src(%dma_wait3A_41 : memref<632x128xf32, #tpu.memory_space<vmem_shared>>) dst(%dma_wait3A_39 : memref<632x128xf32, #tpu.memory_space<hbm>>)
      tpu.yield
    }) : () -> ()
    return
  }
}

#map = affine_map<(d0, d1) -> (0, 0)>
#map1 = affine_map<(d0, d1) -> (0)>
#map2 = affine_map<(d0, d1) -> (0, 0, 0)>
module attributes {stable_mosaic.version = 14 : i64} {
  func.func @body(%arg0: i32, %arg1: i32, %arg2: memref<50000x128xf32, #tpu.memory_space<hbm>>, %arg3: memref<323584xi32, #tpu.memory_space<hbm>>, %arg4: memref<323584xi32, #tpu.memory_space<hbm>>, %arg5: memref<2x10112x128xf32, #tpu.memory_space<hbm>>, %arg6: memref<128xi32, #tpu.memory_space<vmem>>, %arg7: memref<128xi32, #tpu.memory_space<vmem>>, %arg8: memref<128x128xf32, #tpu.memory_space<vmem>>, %arg9: memref<10112x128xf32, #tpu.memory_space<vmem_shared>>, %arg10: memref<!tpu.dma_semaphore, #tpu.memory_space<semaphore_mem>>) attributes {dimension_semantics = [#tpu.dimension_semantics<core_parallel>, #tpu.dimension_semantics<subcore_parallel>], iteration_bounds = array<i64: 2, 16>, scalar_prefetch = 0 : i64, scratch_operands = 5 : i64, tpu.core_type = #tpu.core_type<sc_vector_subcore>, window_params = [{transform_indices = #map}, {transform_indices = #map1}, {transform_indices = #map1}, {transform_indices = #map2}]} {
    %mul3A = arith.constant 16 : i32
    %mul3A_0 = arith.muli %arg0, %mul3A : i32
    %add3A = arith.addi %mul3A_0, %arg1 : i32
    %mul3A_1 = arith.constant 632 : i32
    %mul3A_2 = arith.muli %arg1, %mul3A_1 : i32
    %scan3A = arith.constant 0 : i32
    %scan3A_3 = arith.constant 0 : i32
    %scan3A_4 = arith.constant 128 : i32
    %scan3A_5 = arith.addi %scan3A_3, %scan3A_4 : i32
    %scan3A_6 = arith.constant 1 : i32
    %scan3A_7 = scf.for %scan3A_27 = %scan3A_3 to %scan3A_5 step %scan3A_6 iter_args(%scan3A_28 = %scan3A) -> (i32)  : i32 {
      %broadcast_in_dim3A = arith.constant 0.000000e+00 : f32
      %broadcast_in_dim3A_29 = vector.broadcast %broadcast_in_dim3A : f32 to vector<16xf32>
      %swap3A = arith.index_cast %scan3A_27 : i32 to index
      %swap3A_30 = arith.constant 0 : index
      %swap3A_31 = tpu.vector_load %arg8[%swap3A, %swap3A_30] {strides = array<i32>} : memref<128x128xf32, #tpu.memory_space<vmem>>, vector<1x16xf32>,
      %swap3A_32 = vector.shape_cast %swap3A_31 : vector<1x16xf32> to vector<16xf32>
      %swap3A_33 = vector.shape_cast %broadcast_in_dim3A_29 : vector<16xf32> to vector<1x16xf32>
      tpu.vector_store %arg8[%swap3A, %swap3A_30], %swap3A_33 {strides = array<i32>} : memref<128x128xf32, #tpu.memory_space<vmem>>, vector<1x16xf32>,
      %broadcast_in_dim3A_34 = arith.constant 0.000000e+00 : f32
      %broadcast_in_dim3A_35 = vector.broadcast %broadcast_in_dim3A_34 : f32 to vector<16xf32>
      %swap3A_36 = arith.index_cast %scan3A_27 : i32 to index
      %swap3A_37 = arith.constant 16 : index
      %swap3A_38 = tpu.vector_load %arg8[%swap3A_36, %swap3A_37] {strides = array<i32>} : memref<128x128xf32, #tpu.memory_space<vmem>>, vector<1x16xf32>,
      %swap3A_39 = vector.shape_cast %swap3A_38 : vector<1x16xf32> to vector<16xf32>
      %swap3A_40 = vector.shape_cast %broadcast_in_dim3A_35 : vector<16xf32> to vector<1x16xf32>
      tpu.vector_store %arg8[%swap3A_36, %swap3A_37], %swap3A_40 {strides = array<i32>} : memref<128x128xf32, #tpu.memory_space<vmem>>, vector<1x16xf32>,
      %broadcast_in_dim3A_41 = arith.constant 0.000000e+00 : f32
      %broadcast_in_dim3A_42 = vector.broadcast %broadcast_in_dim3A_41 : f32 to vector<16xf32>
      %swap3A_43 = arith.index_cast %scan3A_27 : i32 to index
      %swap3A_44 = arith.constant 32 : index
      %swap3A_45 = tpu.vector_load %arg8[%swap3A_43, %swap3A_44] {strides = array<i32>} : memref<128x128xf32, #tpu.memory_space<vmem>>, vector<1x16xf32>,
      %swap3A_46 = vector.shape_cast %swap3A_45 : vector<1x16xf32> to vector<16xf32>
      %swap3A_47 = vector.shape_cast %broadcast_in_dim3A_42 : vector<16xf32> to vector<1x16xf32>
      tpu.vector_store %arg8[%swap3A_43, %swap3A_44], %swap3A_47 {strides = array<i32>} : memref<128x128xf32, #tpu.memory_space<vmem>>, vector<1x16xf32>,
      %broadcast_in_dim3A_48 = arith.constant 0.000000e+00 : f32
      %broadcast_in_dim3A_49 = vector.broadcast %broadcast_in_dim3A_48 : f32 to vector<16xf32>
      %swap3A_50 = arith.index_cast %scan3A_27 : i32 to index
      %swap3A_51 = arith.constant 48 : index
      %swap3A_52 = tpu.vector_load %arg8[%swap3A_50, %swap3A_51] {strides = array<i32>} : memref<128x128xf32, #tpu.memory_space<vmem>>, vector<1x16xf32>,
      %swap3A_53 = vector.shape_cast %swap3A_52 : vector<1x16xf32> to vector<16xf32>
      %swap3A_54 = vector.shape_cast %broadcast_in_dim3A_49 : vector<16xf32> to vector<1x16xf32>
      tpu.vector_store %arg8[%swap3A_50, %swap3A_51], %swap3A_54 {strides = array<i32>} : memref<128x128xf32, #tpu.memory_space<vmem>>, vector<1x16xf32>,
      %broadcast_in_dim3A_55 = arith.constant 0.000000e+00 : f32
      %broadcast_in_dim3A_56 = vector.broadcast %broadcast_in_dim3A_55 : f32 to vector<16xf32>
      %swap3A_57 = arith.index_cast %scan3A_27 : i32 to index
      %swap3A_58 = arith.constant 64 : index
      %swap3A_59 = tpu.vector_load %arg8[%swap3A_57, %swap3A_58] {strides = array<i32>} : memref<128x128xf32, #tpu.memory_space<vmem>>, vector<1x16xf32>,
      %swap3A_60 = vector.shape_cast %swap3A_59 : vector<1x16xf32> to vector<16xf32>
      %swap3A_61 = vector.shape_cast %broadcast_in_dim3A_56 : vector<16xf32> to vector<1x16xf32>
      tpu.vector_store %arg8[%swap3A_57, %swap3A_58], %swap3A_61 {strides = array<i32>} : memref<128x128xf32, #tpu.memory_space<vmem>>, vector<1x16xf32>,
      %broadcast_in_dim3A_62 = arith.constant 0.000000e+00 : f32
      %broadcast_in_dim3A_63 = vector.broadcast %broadcast_in_dim3A_62 : f32 to vector<16xf32>
      %swap3A_64 = arith.index_cast %scan3A_27 : i32 to index
      %swap3A_65 = arith.constant 80 : index
      %swap3A_66 = tpu.vector_load %arg8[%swap3A_64, %swap3A_65] {strides = array<i32>} : memref<128x128xf32, #tpu.memory_space<vmem>>, vector<1x16xf32>,
      %swap3A_67 = vector.shape_cast %swap3A_66 : vector<1x16xf32> to vector<16xf32>
      %swap3A_68 = vector.shape_cast %broadcast_in_dim3A_63 : vector<16xf32> to vector<1x16xf32>
      tpu.vector_store %arg8[%swap3A_64, %swap3A_65], %swap3A_68 {strides = array<i32>} : memref<128x128xf32, #tpu.memory_space<vmem>>, vector<1x16xf32>,
      %broadcast_in_dim3A_69 = arith.constant 0.000000e+00 : f32
      %broadcast_in_dim3A_70 = vector.broadcast %broadcast_in_dim3A_69 : f32 to vector<16xf32>
      %swap3A_71 = arith.index_cast %scan3A_27 : i32 to index
      %swap3A_72 = arith.constant 96 : index
      %swap3A_73 = tpu.vector_load %arg8[%swap3A_71, %swap3A_72] {strides = array<i32>} : memref<128x128xf32, #tpu.memory_space<vmem>>, vector<1x16xf32>,
      %swap3A_74 = vector.shape_cast %swap3A_73 : vector<1x16xf32> to vector<16xf32>
      %swap3A_75 = vector.shape_cast %broadcast_in_dim3A_70 : vector<16xf32> to vector<1x16xf32>
      tpu.vector_store %arg8[%swap3A_71, %swap3A_72], %swap3A_75 {strides = array<i32>} : memref<128x128xf32, #tpu.memory_space<vmem>>, vector<1x16xf32>,
      %broadcast_in_dim3A_76 = arith.constant 0.000000e+00 : f32
      %broadcast_in_dim3A_77 = vector.broadcast %broadcast_in_dim3A_76 : f32 to vector<16xf32>
      %swap3A_78 = arith.index_cast %scan3A_27 : i32 to index
      %swap3A_79 = arith.constant 112 : index
      %swap3A_80 = tpu.vector_load %arg8[%swap3A_78, %swap3A_79] {strides = array<i32>} : memref<128x128xf32, #tpu.memory_space<vmem>>, vector<1x16xf32>,
      %swap3A_81 = vector.shape_cast %swap3A_80 : vector<1x16xf32> to vector<16xf32>
      %swap3A_82 = vector.shape_cast %broadcast_in_dim3A_77 : vector<16xf32> to vector<1x16xf32>
      tpu.vector_store %arg8[%swap3A_78, %swap3A_79], %swap3A_82 {strides = array<i32>} : memref<128x128xf32, #tpu.memory_space<vmem>>, vector<1x16xf32>,
      %scan3A_83 = arith.constant 0 : i32
      scf.yield %scan3A_83 : i32
    }
    %scan3A_8 = arith.constant 128 : i32
    %add3A_9 = arith.constant 0 : i32
    %add3A_10 = arith.addi %mul3A_2, %add3A_9 : i32
    "tpu.region"() ({
      %run_scoped3A = tpu.sem_alloc : memref<!tpu.dma_semaphore, #tpu.memory_space<semaphore_mem>>
      %dma_start3A = arith.constant 0 : i32
      %dma_start3A_27 = tpu.memref_slice %arg9[%add3A_10, %dma_start3A] : memref<10112x128xf32, #tpu.memory_space<vmem_shared>> -> memref<128x128xf32, #tpu.memory_space<vmem_shared>>
      %dma_start3A_28 = arith.constant 0 : i32
      %dma_start3A_29 = tpu.memref_slice %arg9[%add3A_10, %dma_start3A_28] : memref<10112x128xf32, #tpu.memory_space<vmem_shared>> -> memref<128x128xf32, #tpu.memory_space<vmem_shared>>
      tpu.enqueue_dma source(%arg8 : memref<128x128xf32, #tpu.memory_space<vmem>>) target(%dma_start3A_29 : memref<128x128xf32, #tpu.memory_space<vmem_shared>>) target_semaphore(%run_scoped3A : memref<!tpu.dma_semaphore, #tpu.memory_space<semaphore_mem>>)
      %dma_wait3A = arith.constant 0 : i32
      %dma_wait3A_30 = tpu.memref_slice %arg9[%add3A_10, %dma_wait3A] : memref<10112x128xf32, #tpu.memory_space<vmem_shared>> -> memref<128x128xf32, #tpu.memory_space<vmem_shared>>
      %dma_wait3A_31 = arith.constant 0 : i32
      %dma_wait3A_32 = tpu.memref_slice %arg9[%add3A_10, %dma_wait3A_31] : memref<10112x128xf32, #tpu.memory_space<vmem_shared>> -> memref<128x128xf32, #tpu.memory_space<vmem_shared>>
      tpu.wait_dma2 semaphore(%run_scoped3A : memref<!tpu.dma_semaphore, #tpu.memory_space<semaphore_mem>>) src(%arg8 : memref<128x128xf32, #tpu.memory_space<vmem>>) dst(%dma_wait3A_32 : memref<128x128xf32, #tpu.memory_space<vmem_shared>>)
      tpu.yield
    }) : () -> ()
    %add3A_11 = arith.constant 128 : i32
    %add3A_12 = arith.addi %mul3A_2, %add3A_11 : i32
    "tpu.region"() ({
      %run_scoped3A = tpu.sem_alloc : memref<!tpu.dma_semaphore, #tpu.memory_space<semaphore_mem>>
      %dma_start3A = arith.constant 0 : i32
      %dma_start3A_27 = tpu.memref_slice %arg9[%add3A_12, %dma_start3A] : memref<10112x128xf32, #tpu.memory_space<vmem_shared>> -> memref<128x128xf32, #tpu.memory_space<vmem_shared>>
      %dma_start3A_28 = arith.constant 0 : i32
      %dma_start3A_29 = tpu.memref_slice %arg9[%add3A_12, %dma_start3A_28] : memref<10112x128xf32, #tpu.memory_space<vmem_shared>> -> memref<128x128xf32, #tpu.memory_space<vmem_shared>>
      tpu.enqueue_dma source(%arg8 : memref<128x128xf32, #tpu.memory_space<vmem>>) target(%dma_start3A_29 : memref<128x128xf32, #tpu.memory_space<vmem_shared>>) target_semaphore(%run_scoped3A : memref<!tpu.dma_semaphore, #tpu.memory_space<semaphore_mem>>)
      %dma_wait3A = arith.constant 0 : i32
      %dma_wait3A_30 = tpu.memref_slice %arg9[%add3A_12, %dma_wait3A] : memref<10112x128xf32, #tpu.memory_space<vmem_shared>> -> memref<128x128xf32, #tpu.memory_space<vmem_shared>>
      %dma_wait3A_31 = arith.constant 0 : i32
      %dma_wait3A_32 = tpu.memref_slice %arg9[%add3A_12, %dma_wait3A_31] : memref<10112x128xf32, #tpu.memory_space<vmem_shared>> -> memref<128x128xf32, #tpu.memory_space<vmem_shared>>
      tpu.wait_dma2 semaphore(%run_scoped3A : memref<!tpu.dma_semaphore, #tpu.memory_space<semaphore_mem>>) src(%arg8 : memref<128x128xf32, #tpu.memory_space<vmem>>) dst(%dma_wait3A_32 : memref<128x128xf32, #tpu.memory_space<vmem_shared>>)
      tpu.yield
    }) : () -> ()
    %add3A_13 = arith.constant 256 : i32
    %add3A_14 = arith.addi %mul3A_2, %add3A_13 : i32
    "tpu.region"() ({
      %run_scoped3A = tpu.sem_alloc : memref<!tpu.dma_semaphore, #tpu.memory_space<semaphore_mem>>
      %dma_start3A = arith.constant 0 : i32
      %dma_start3A_27 = tpu.memref_slice %arg9[%add3A_14, %dma_start3A] : memref<10112x128xf32, #tpu.memory_space<vmem_shared>> -> memref<128x128xf32, #tpu.memory_space<vmem_shared>>
      %dma_start3A_28 = arith.constant 0 : i32
      %dma_start3A_29 = tpu.memref_slice %arg9[%add3A_14, %dma_start3A_28] : memref<10112x128xf32, #tpu.memory_space<vmem_shared>> -> memref<128x128xf32, #tpu.memory_space<vmem_shared>>
      tpu.enqueue_dma source(%arg8 : memref<128x128xf32, #tpu.memory_space<vmem>>) target(%dma_start3A_29 : memref<128x128xf32, #tpu.memory_space<vmem_shared>>) target_semaphore(%run_scoped3A : memref<!tpu.dma_semaphore, #tpu.memory_space<semaphore_mem>>)
      %dma_wait3A = arith.constant 0 : i32
      %dma_wait3A_30 = tpu.memref_slice %arg9[%add3A_14, %dma_wait3A] : memref<10112x128xf32, #tpu.memory_space<vmem_shared>> -> memref<128x128xf32, #tpu.memory_space<vmem_shared>>
      %dma_wait3A_31 = arith.constant 0 : i32
      %dma_wait3A_32 = tpu.memref_slice %arg9[%add3A_14, %dma_wait3A_31] : memref<10112x128xf32, #tpu.memory_space<vmem_shared>> -> memref<128x128xf32, #tpu.memory_space<vmem_shared>>
      tpu.wait_dma2 semaphore(%run_scoped3A : memref<!tpu.dma_semaphore, #tpu.memory_space<semaphore_mem>>) src(%arg8 : memref<128x128xf32, #tpu.memory_space<vmem>>) dst(%dma_wait3A_32 : memref<128x128xf32, #tpu.memory_space<vmem_shared>>)
      tpu.yield
    }) : () -> ()
    %add3A_15 = arith.constant 384 : i32
    %add3A_16 = arith.addi %mul3A_2, %add3A_15 : i32
    "tpu.region"() ({
      %run_scoped3A = tpu.sem_alloc : memref<!tpu.dma_semaphore, #tpu.memory_space<semaphore_mem>>
      %dma_start3A = arith.constant 0 : i32
      %dma_start3A_27 = tpu.memref_slice %arg9[%add3A_16, %dma_start3A] : memref<10112x128xf32, #tpu.memory_space<vmem_shared>> -> memref<128x128xf32, #tpu.memory_space<vmem_shared>>
      %dma_start3A_28 = arith.constant 0 : i32
      %dma_start3A_29 = tpu.memref_slice %arg9[%add3A_16, %dma_start3A_28] : memref<10112x128xf32, #tpu.memory_space<vmem_shared>> -> memref<128x128xf32, #tpu.memory_space<vmem_shared>>
      tpu.enqueue_dma source(%arg8 : memref<128x128xf32, #tpu.memory_space<vmem>>) target(%dma_start3A_29 : memref<128x128xf32, #tpu.memory_space<vmem_shared>>) target_semaphore(%run_scoped3A : memref<!tpu.dma_semaphore, #tpu.memory_space<semaphore_mem>>)
      %dma_wait3A = arith.constant 0 : i32
      %dma_wait3A_30 = tpu.memref_slice %arg9[%add3A_16, %dma_wait3A] : memref<10112x128xf32, #tpu.memory_space<vmem_shared>> -> memref<128x128xf32, #tpu.memory_space<vmem_shared>>
      %dma_wait3A_31 = arith.constant 0 : i32
      %dma_wait3A_32 = tpu.memref_slice %arg9[%add3A_16, %dma_wait3A_31] : memref<10112x128xf32, #tpu.memory_space<vmem_shared>> -> memref<128x128xf32, #tpu.memory_space<vmem_shared>>
      tpu.wait_dma2 semaphore(%run_scoped3A : memref<!tpu.dma_semaphore, #tpu.memory_space<semaphore_mem>>) src(%arg8 : memref<128x128xf32, #tpu.memory_space<vmem>>) dst(%dma_wait3A_32 : memref<128x128xf32, #tpu.memory_space<vmem_shared>>)
      tpu.yield
    }) : () -> ()
    %add3A_17 = arith.constant 512 : i32
    %add3A_18 = arith.addi %mul3A_2, %add3A_17 : i32
    "tpu.region"() ({
      %run_scoped3A = tpu.sem_alloc : memref<!tpu.dma_semaphore, #tpu.memory_space<semaphore_mem>>
      %dma_start3A = arith.constant 0 : i32
      %dma_start3A_27 = arith.constant 0 : i32
      %dma_start3A_28 = tpu.memref_slice %arg8[%dma_start3A, %dma_start3A_27] : memref<128x128xf32, #tpu.memory_space<vmem>> -> memref<120x128xf32, #tpu.memory_space<vmem>>
      %dma_start3A_29 = arith.constant 0 : i32
      %dma_start3A_30 = tpu.memref_slice %arg9[%add3A_18, %dma_start3A_29] : memref<10112x128xf32, #tpu.memory_space<vmem_shared>> -> memref<120x128xf32, #tpu.memory_space<vmem_shared>>
      %dma_start3A_31 = arith.constant 0 : i32
      %dma_start3A_32 = tpu.memref_slice %arg9[%add3A_18, %dma_start3A_31] : memref<10112x128xf32, #tpu.memory_space<vmem_shared>> -> memref<120x128xf32, #tpu.memory_space<vmem_shared>>
      %dma_start3A_33 = arith.constant 0 : i32
      %dma_start3A_34 = arith.constant 0 : i32
      %dma_start3A_35 = tpu.memref_slice %arg8[%dma_start3A_33, %dma_start3A_34] : memref<128x128xf32, #tpu.memory_space<vmem>> -> memref<120x128xf32, #tpu.memory_space<vmem>>
      tpu.enqueue_dma source(%dma_start3A_35 : memref<120x128xf32, #tpu.memory_space<vmem>>) target(%dma_start3A_32 : memref<120x128xf32, #tpu.memory_space<vmem_shared>>) target_semaphore(%run_scoped3A : memref<!tpu.dma_semaphore, #tpu.memory_space<semaphore_mem>>)
      %dma_wait3A = arith.constant 0 : i32
      %dma_wait3A_36 = arith.constant 0 : i32
      %dma_wait3A_37 = tpu.memref_slice %arg8[%dma_wait3A, %dma_wait3A_36] : memref<128x128xf32, #tpu.memory_space<vmem>> -> memref<120x128xf32, #tpu.memory_space<vmem>>
      %dma_wait3A_38 = arith.constant 0 : i32
      %dma_wait3A_39 = tpu.memref_slice %arg9[%add3A_18, %dma_wait3A_38] : memref<10112x128xf32, #tpu.memory_space<vmem_shared>> -> memref<120x128xf32, #tpu.memory_space<vmem_shared>>
      %dma_wait3A_40 = arith.constant 0 : i32
      %dma_wait3A_41 = tpu.memref_slice %arg9[%add3A_18, %dma_wait3A_40] : memref<10112x128xf32, #tpu.memory_space<vmem_shared>> -> memref<120x128xf32, #tpu.memory_space<vmem_shared>>
      %dma_wait3A_42 = arith.constant 0 : i32
      %dma_wait3A_43 = arith.constant 0 : i32
      %dma_wait3A_44 = tpu.memref_slice %arg8[%dma_wait3A_42, %dma_wait3A_43] : memref<128x128xf32, #tpu.memory_space<vmem>> -> memref<120x128xf32, #tpu.memory_space<vmem>>
      tpu.wait_dma2 semaphore(%run_scoped3A : memref<!tpu.dma_semaphore, #tpu.memory_space<semaphore_mem>>) src(%dma_wait3A_44 : memref<120x128xf32, #tpu.memory_space<vmem>>) dst(%dma_wait3A_41 : memref<120x128xf32, #tpu.memory_space<vmem_shared>>)
      tpu.yield
    }) : () -> ()
    %barrier3A = arith.constant 0 : index
    tpu.barrier barrier_id(%barrier3A)
    %scan3A_19 = arith.constant 0 : i32
    %scan3A_20 = arith.constant 0 : i32
    %scan3A_21 = arith.constant 79 : i32
    %scan3A_22 = arith.addi %scan3A_20, %scan3A_21 : i32
    %scan3A_23 = arith.constant 1 : i32
    %scan3A_24 = scf.for %scan3A_27 = %scan3A_20 to %scan3A_22 step %scan3A_23 iter_args(%scan3A_28 = %scan3A_19) -> (i32)  : i32 {
      %mul3A_29 = arith.constant 10112 : i32
      %mul3A_30 = arith.muli %add3A, %mul3A_29 : i32
      %mul3A_31 = arith.constant 128 : i32
      %mul3A_32 = arith.muli %scan3A_27, %mul3A_31 : i32
      %add3A_33 = arith.addi %mul3A_30, %mul3A_32 : i32
      "tpu.region"() ({
        %run_scoped3A = tpu.sem_alloc : memref<!tpu.dma_semaphore, #tpu.memory_space<semaphore_mem>>
        %dma_start3A_39 = tpu.memref_slice %arg4[%add3A_33] : memref<323584xi32, #tpu.memory_space<hbm>> -> memref<128xi32, #tpu.memory_space<hbm>>
        %dma_start3A_40 = tpu.memref_slice %arg4[%add3A_33] : memref<323584xi32, #tpu.memory_space<hbm>> -> memref<128xi32, #tpu.memory_space<hbm>>
        tpu.enqueue_dma source(%dma_start3A_40 : memref<128xi32, #tpu.memory_space<hbm>>) target(%arg7 : memref<128xi32, #tpu.memory_space<vmem>>) target_semaphore(%run_scoped3A : memref<!tpu.dma_semaphore, #tpu.memory_space<semaphore_mem>>)
        %dma_wait3A_41 = tpu.memref_slice %arg4[%add3A_33] : memref<323584xi32, #tpu.memory_space<hbm>> -> memref<128xi32, #tpu.memory_space<hbm>>
        %dma_wait3A_42 = tpu.memref_slice %arg4[%add3A_33] : memref<323584xi32, #tpu.memory_space<hbm>> -> memref<128xi32, #tpu.memory_space<hbm>>
        tpu.wait_dma2 semaphore(%run_scoped3A : memref<!tpu.dma_semaphore, #tpu.memory_space<semaphore_mem>>) src(%dma_wait3A_42 : memref<128xi32, #tpu.memory_space<hbm>>) dst(%arg7 : memref<128xi32, #tpu.memory_space<vmem>>)
        tpu.yield
      }) : () -> ()
      "tpu.region"() ({
        %run_scoped3A = tpu.sem_alloc : memref<!tpu.dma_semaphore, #tpu.memory_space<semaphore_mem>>
        %dma_start3A_39 = tpu.memref_slice %arg3[%add3A_33] : memref<323584xi32, #tpu.memory_space<hbm>> -> memref<128xi32, #tpu.memory_space<hbm>>
        %dma_start3A_40 = tpu.memref_slice %arg3[%add3A_33] : memref<323584xi32, #tpu.memory_space<hbm>> -> memref<128xi32, #tpu.memory_space<hbm>>
        tpu.enqueue_dma source(%dma_start3A_40 : memref<128xi32, #tpu.memory_space<hbm>>) target(%arg6 : memref<128xi32, #tpu.memory_space<vmem>>) target_semaphore(%run_scoped3A : memref<!tpu.dma_semaphore, #tpu.memory_space<semaphore_mem>>)
        %dma_wait3A_41 = tpu.memref_slice %arg3[%add3A_33] : memref<323584xi32, #tpu.memory_space<hbm>> -> memref<128xi32, #tpu.memory_space<hbm>>
        %dma_wait3A_42 = tpu.memref_slice %arg3[%add3A_33] : memref<323584xi32, #tpu.memory_space<hbm>> -> memref<128xi32, #tpu.memory_space<hbm>>
        tpu.wait_dma2 semaphore(%run_scoped3A : memref<!tpu.dma_semaphore, #tpu.memory_space<semaphore_mem>>) src(%dma_wait3A_42 : memref<128xi32, #tpu.memory_space<hbm>>) dst(%arg6 : memref<128xi32, #tpu.memory_space<vmem>>)
        tpu.yield
      }) : () -> ()
      %dma_start3A = arith.constant 0 : i32
      %dma_start3A_34 = arith.constant 0 : i32
      %dma_start3A_35 = tpu.memref_slice %arg2[%dma_start3A, %dma_start3A_34] : memref<50000x128xf32, #tpu.memory_space<hbm>> -> memref<50000x128xf32, #tpu.memory_space<hbm>>
      tpu.enqueue_indirect_dma source(%dma_start3A_35 : memref<50000x128xf32, #tpu.memory_space<hbm>>) target(%arg8 : memref<128x128xf32, #tpu.memory_space<vmem>>) offsets(%arg6 : memref<128xi32, #tpu.memory_space<vmem>>) semaphore(%arg10 : memref<!tpu.dma_semaphore, #tpu.memory_space<semaphore_mem>>)
      %dma_wait3A = arith.constant 0 : i32
      %dma_wait3A_36 = arith.constant 0 : i32
      %dma_wait3A_37 = tpu.memref_slice %arg2[%dma_wait3A, %dma_wait3A_36] : memref<50000x128xf32, #tpu.memory_space<hbm>> -> memref<50000x128xf32, #tpu.memory_space<hbm>>
      tpu.wait_indirect_dma semaphore(%arg10 : memref<!tpu.dma_semaphore, #tpu.memory_space<semaphore_mem>>) src(%dma_wait3A_37 : memref<50000x128xf32, #tpu.memory_space<hbm>>) dst(%arg8 : memref<128x128xf32, #tpu.memory_space<vmem>>)
      "tpu.region"() ({
        %run_scoped3A = tpu.sem_alloc : memref<!tpu.dma_semaphore, #tpu.memory_space<semaphore_mem>>
        %dma_start3A_39 = arith.constant 0 : i32
        %dma_start3A_40 = arith.constant 0 : i32
        %dma_start3A_41 = tpu.memref_slice %arg9[%dma_start3A_39, %dma_start3A_40] : memref<10112x128xf32, #tpu.memory_space<vmem_shared>> -> memref<10112x128xf32, #tpu.memory_space<vmem_shared>>
        tpu.enqueue_indirect_dma source(%arg8 : memref<128x128xf32, #tpu.memory_space<vmem>>) target(%dma_start3A_41 : memref<10112x128xf32, #tpu.memory_space<vmem_shared>>) offsets(%arg7 : memref<128xi32, #tpu.memory_space<vmem>>) semaphore(%run_scoped3A : memref<!tpu.dma_semaphore, #tpu.memory_space<semaphore_mem>>) {add = true}
        %dma_wait3A_42 = arith.constant 0 : i32
        %dma_wait3A_43 = arith.constant 0 : i32
        %dma_wait3A_44 = tpu.memref_slice %arg9[%dma_wait3A_42, %dma_wait3A_43] : memref<10112x128xf32, #tpu.memory_space<vmem_shared>> -> memref<10112x128xf32, #tpu.memory_space<vmem_shared>>
        tpu.wait_indirect_dma semaphore(%run_scoped3A : memref<!tpu.dma_semaphore, #tpu.memory_space<semaphore_mem>>) src(%arg8 : memref<128x128xf32, #tpu.memory_space<vmem>>) dst(%dma_wait3A_44 : memref<10112x128xf32, #tpu.memory_space<vmem_shared>>)
        tpu.yield
      }) : () -> ()
      %scan3A_38 = arith.constant 0 : i32
      scf.yield %scan3A_38 : i32
    }
    %scan3A_25 = arith.constant 79 : i32
    %barrier3A_26 = arith.constant 0 : index
    tpu.barrier barrier_id(%barrier3A_26)
    "tpu.region"() ({
      %run_scoped3A = tpu.sem_alloc : memref<!tpu.dma_semaphore, #tpu.memory_space<semaphore_mem>>
      %dma_start3A = arith.constant 0 : i32
      %dma_start3A_27 = tpu.memref_slice %arg5[%arg0, %mul3A_2, %dma_start3A] : memref<2x10112x128xf32, #tpu.memory_space<hbm>> -> memref<1x632x128xf32, #tpu.memory_space<hbm>>
      %dma_start3A_28 = tpu.memref_squeeze %dma_start3A_27 : memref<1x632x128xf32, #tpu.memory_space<hbm>> -> memref<632x128xf32, #tpu.memory_space<hbm>>
      %dma_start3A_29 = arith.constant 0 : i32
      %dma_start3A_30 = tpu.memref_slice %arg9[%mul3A_2, %dma_start3A_29] : memref<10112x128xf32, #tpu.memory_space<vmem_shared>> -> memref<632x128xf32, #tpu.memory_space<vmem_shared>>
      tpu.enqueue_dma source(%dma_start3A_30 : memref<632x128xf32, #tpu.memory_space<vmem_shared>>) target(%dma_start3A_28 : memref<632x128xf32, #tpu.memory_space<hbm>>) target_semaphore(%run_scoped3A : memref<!tpu.dma_semaphore, #tpu.memory_space<semaphore_mem>>)
      %dma_wait3A = arith.constant 0 : i32
      %dma_wait3A_31 = tpu.memref_slice %arg5[%arg0, %mul3A_2, %dma_wait3A] : memref<2x10112x128xf32, #tpu.memory_space<hbm>> -> memref<1x632x128xf32, #tpu.memory_space<hbm>>
      %dma_wait3A_32 = tpu.memref_squeeze %dma_wait3A_31 : memref<1x632x128xf32, #tpu.memory_space<hbm>> -> memref<632x128xf32, #tpu.memory_space<hbm>>
      %dma_wait3A_33 = arith.constant 0 : i32
      %dma_wait3A_34 = tpu.memref_slice %arg9[%mul3A_2, %dma_wait3A_33] : memref<10112x128xf32, #tpu.memory_space<vmem_shared>> -> memref<632x128xf32, #tpu.memory_space<vmem_shared>>
      tpu.wait_dma2 semaphore(%run_scoped3A : memref<!tpu.dma_semaphore, #tpu.memory_space<semaphore_mem>>) src(%dma_wait3A_34 : memref<632x128xf32, #tpu.memory_space<vmem_shared>>) dst(%dma_wait3A_32 : memref<632x128xf32, #tpu.memory_space<hbm>>)
      tpu.yield
    }) : () -> ()
    return
  }
}

module attributes {stable_mosaic.version = 14 : i64} {
  func.func @body(%arg0: i32, %arg1: memref<2x2000x128xf32, #tpu.memory_space<vmem>>, %arg2: memref<2000x1xf32, #tpu.memory_space<vmem>>) attributes {dimension_semantics = [#tpu.dimension_semantics<arbitrary>], iteration_bounds = array<i64: 5>, scalar_prefetch = 0 : i64, scratch_operands = 0 : i64, tpu.core_type = #tpu.core_type<tc>, window_params = [{transform_indices = @transform_0, window_bounds = array<i64: 2, 2000, 128>}, {transform_indices = @transform_1, window_bounds = array<i64: 2000, 1>}]} {
    %get3A = arith.constant 0 : index
    %get3A_0 = arith.constant 0 : index
    %get3A_1 = arith.constant 0 : index
    %get3A_2 = vector.load %arg1[%get3A, %get3A_0, %get3A_1] : memref<2x2000x128xf32, #tpu.memory_space<vmem>>, vector<1x2000x1xf32>
    %get3A_3 = vector.shape_cast %get3A_2 : vector<1x2000x1xf32> to vector<2000x1xf32>
    %get3A_4 = arith.constant 1 : index
    %get3A_5 = arith.constant 0 : index
    %get3A_6 = arith.constant 0 : index
    %get3A_7 = vector.load %arg1[%get3A_4, %get3A_5, %get3A_6] : memref<2x2000x128xf32, #tpu.memory_space<vmem>>, vector<1x2000x1xf32>
    %get3A_8 = vector.shape_cast %get3A_7 : vector<1x2000x1xf32> to vector<2000x1xf32>
    %add3A = arith.addf %get3A_3, %get3A_8 : vector<2000x1xf32>
    %max3A = arith.constant 1.000000e+00 : f32
    %max3A_9 = vector.broadcast %max3A : f32 to vector<2000x1xf32>
    %max3A_10 = arith.maximumf %add3A, %max3A_9 : vector<2000x1xf32>
    %div3A = arith.constant 1.000000e+00 : f32
    %div3A_11 = vector.broadcast %div3A : f32 to vector<2000x1xf32>
    %div3A_12 = arith.divf %div3A_11, %max3A_10 : vector<2000x1xf32>
    %swap3A = arith.constant 0 : index
    %swap3A_13 = arith.constant 0 : index
    %swap3A_14 = vector.load %arg2[%swap3A, %swap3A_13] : memref<2000x1xf32, #tpu.memory_space<vmem>>, vector<2000x1xf32>
    tpu.vector_store %arg2[%swap3A, %swap3A_13], %div3A_12 {strides = array<i32>} : memref<2000x1xf32, #tpu.memory_space<vmem>>, vector<2000x1xf32>,
    return
  }
  func.func @transform_0(%arg0: i32) -> (i32, i32, i32) {
    %c0_i32 = arith.constant 0 : i32
    %c0_i32_0 = arith.constant 0 : i32
    %c0_i32_1 = arith.constant 0 : i32
    return %c0_i32, %arg0, %c0_i32_0 : i32, i32, i32
  }
  func.func @transform_1(%arg0: i32) -> (i32, i32) {
    %c0_i32 = arith.constant 0 : i32
    %c0_i32_0 = arith.constant 0 : i32
    return %arg0, %c0_i32 : i32, i32
  }
}

module attributes {stable_mosaic.version = 14 : i64} {
  func.func @body(%arg0: i32, %arg1: i32, %arg2: memref<2000x128xf32, #tpu.memory_space<vmem>>, %arg3: memref<1x128x128xf32, #tpu.memory_space<vmem>>, %arg4: memref<1x2000x128xf32, #tpu.memory_space<vmem>>) attributes {dimension_semantics = [#tpu.dimension_semantics<arbitrary>, #tpu.dimension_semantics<arbitrary>], iteration_bounds = array<i64: 5, 6>, scalar_prefetch = 0 : i64, scratch_operands = 0 : i64, tpu.core_type = #tpu.core_type<tc>, window_params = [{transform_indices = @transform_0, window_bounds = array<i64: 2000, 128>}, {transform_indices = @transform_1, window_bounds = array<i64: 1, 128, 128>}, {transform_indices = @transform_2, window_bounds = array<i64: 1, 2000, 128>}]} {
    %get3A = arith.constant 0 : index
    %get3A_0 = arith.constant 0 : index
    %get3A_1 = vector.load %arg2[%get3A, %get3A_0] : memref<2000x128xf32, #tpu.memory_space<vmem>>, vector<2000x128xf32>
    %get3A_2 = arith.constant 0 : index
    %get3A_3 = arith.constant 0 : index
    %get3A_4 = arith.constant 0 : index
    %get3A_5 = vector.load %arg3[%get3A_2, %get3A_3, %get3A_4] : memref<1x128x128xf32, #tpu.memory_space<vmem>>, vector<1x128x128xf32>
    %get3A_6 = vector.shape_cast %get3A_5 : vector<1x128x128xf32> to vector<128x128xf32>
    %dot_general3A = arith.constant dense<0.000000e+00> : vector<2000x128xf32>
    %dot_general3A_7 = tpu.matmul %get3A_1, %get3A_6, %dot_general3A {dimension_numbers = #tpu.dot_dimension_numbers<[1], [0], [0], [1], [0, 0, 1, 1], [], []>, transpose_lhs_hint = false} : vector<2000x128xf32>, vector<128x128xf32>, vector<2000x128xf32> -> vector<2000x128xf32>
    %swap3A = arith.constant 0 : index
    %swap3A_8 = arith.constant 0 : index
    %swap3A_9 = arith.constant 0 : index
    %swap3A_10 = vector.load %arg4[%swap3A, %swap3A_8, %swap3A_9] : memref<1x2000x128xf32, #tpu.memory_space<vmem>>, vector<1x2000x128xf32>
    %swap3A_11 = vector.shape_cast %swap3A_10 : vector<1x2000x128xf32> to vector<2000x128xf32>
    %swap3A_12 = vector.shape_cast %dot_general3A_7 : vector<2000x128xf32> to vector<1x2000x128xf32>
    tpu.vector_store %arg4[%swap3A, %swap3A_8, %swap3A_9], %swap3A_12 {strides = array<i32>} : memref<1x2000x128xf32, #tpu.memory_space<vmem>>, vector<1x2000x128xf32>,
    return
  }
  func.func @transform_0(%arg0: i32, %arg1: i32) -> (i32, i32) {
    %c0_i32 = arith.constant 0 : i32
    %c0_i32_0 = arith.constant 0 : i32
    return %arg0, %c0_i32 : i32, i32
  }
  func.func @transform_1(%arg0: i32, %arg1: i32) -> (i32, i32, i32) {
    %c0_i32 = arith.constant 0 : i32
    %c0_i32_0 = arith.constant 0 : i32
    %c0_i32_1 = arith.constant 0 : i32
    return %arg1, %c0_i32, %c0_i32_0 : i32, i32, i32
  }
  func.func @transform_2(%arg0: i32, %arg1: i32) -> (i32, i32, i32) {
    %c0_i32 = arith.constant 0 : i32
    %c0_i32_0 = arith.constant 0 : i32
    return %arg1, %arg0, %c0_i32 : i32, i32, i32
  }
}

module attributes {stable_mosaic.version = 14 : i64} {
  func.func @body(%arg0: i32, %arg1: memref<2x2000x128xf32, #tpu.memory_space<vmem>>, %arg2: memref<2000x128xf32, #tpu.memory_space<vmem>>, %arg3: memref<2000x128xf32, #tpu.memory_space<vmem>>, %arg4: memref<2000x1xf32, #tpu.memory_space<vmem>>, %arg5: memref<1x128xf32, #tpu.memory_space<vmem>>, %arg6: memref<1x128xf32, #tpu.memory_space<vmem>>, %arg7: memref<2000x128xf32, #tpu.memory_space<vmem>>) attributes {dimension_semantics = [#tpu.dimension_semantics<arbitrary>], iteration_bounds = array<i64: 5>, scalar_prefetch = 0 : i64, scratch_operands = 0 : i64, tpu.core_type = #tpu.core_type<tc>, window_params = [{transform_indices = @transform_0, window_bounds = array<i64: 2, 2000, 128>}, {transform_indices = @transform_1, window_bounds = array<i64: 2000, 128>}, {transform_indices = @transform_2, window_bounds = array<i64: 2000, 128>}, {transform_indices = @transform_3, window_bounds = array<i64: 2000, 1>}, {pipeline_mode = #tpu.pipeline_mode<synchronous>, transform_indices = @transform_4, window_bounds = array<i64: 1, 128>}, {pipeline_mode = #tpu.pipeline_mode<synchronous>, transform_indices = @transform_5, window_bounds = array<i64: 1, 128>}, {transform_indices = @transform_6, window_bounds = array<i64: 2000, 128>}]} {
    %get3A = arith.constant 0 : index
    %get3A_0 = arith.constant 0 : index
    %get3A_1 = arith.constant 0 : index
    %get3A_2 = vector.load %arg1[%get3A, %get3A_0, %get3A_1] : memref<2x2000x128xf32, #tpu.memory_space<vmem>>, vector<1x2000x128xf32>
    %get3A_3 = vector.shape_cast %get3A_2 : vector<1x2000x128xf32> to vector<2000x128xf32>
    %get3A_4 = arith.constant 1 : index
    %get3A_5 = arith.constant 0 : index
    %get3A_6 = arith.constant 0 : index
    %get3A_7 = vector.load %arg1[%get3A_4, %get3A_5, %get3A_6] : memref<2x2000x128xf32, #tpu.memory_space<vmem>>, vector<1x2000x128xf32>
    %get3A_8 = vector.shape_cast %get3A_7 : vector<1x2000x128xf32> to vector<2000x128xf32>
    %add3A = arith.addf %get3A_3, %get3A_8 : vector<2000x128xf32>
    %get3A_9 = arith.constant 0 : index
    %get3A_10 = arith.constant 0 : index
    %get3A_11 = vector.load %arg4[%get3A_9, %get3A_10] : memref<2000x1xf32, #tpu.memory_space<vmem>>, vector<2000x1xf32>
    %mul3A = vector.broadcast %get3A_11 : vector<2000x1xf32> to vector<2000x128xf32>
    %mul3A_12 = arith.mulf %add3A, %mul3A : vector<2000x128xf32>
    %get3A_13 = arith.constant 0 : index
    %get3A_14 = arith.constant 0 : index
    %get3A_15 = vector.load %arg2[%get3A_13, %get3A_14] : memref<2000x128xf32, #tpu.memory_space<vmem>>, vector<2000x128xf32>
    %add3A_16 = arith.addf %mul3A_12, %get3A_15 : vector<2000x128xf32>
    %max3A = arith.constant 0.000000e+00 : f32
    %max3A_17 = vector.broadcast %max3A : f32 to vector<2000x128xf32>
    %max3A_18 = arith.maximumf %add3A_16, %max3A_17 : vector<2000x128xf32>
    %get3A_19 = arith.constant 0 : index
    %get3A_20 = arith.constant 0 : index
    %get3A_21 = vector.load %arg3[%get3A_19, %get3A_20] : memref<2000x128xf32, #tpu.memory_space<vmem>>, vector<2000x128xf32>
    %add3A_22 = arith.addf %max3A_18, %get3A_21 : vector<2000x128xf32>
    %reduce_sum3A = arith.constant dense<0.000000e+00> : vector<2000xf32>
    %reduce_sum3A_23 = vector.multi_reduction <add>, %add3A_22, %reduce_sum3A [1] : vector<2000x128xf32> to vector<2000xf32>
    %broadcast_in_dim3A = vector.shape_cast %reduce_sum3A_23 : vector<2000xf32> to vector<2000x1xf32>
    %div3A = arith.constant 1.280000e+02 : f32
    %div3A_24 = vector.broadcast %div3A : f32 to vector<2000x1xf32>
    %div3A_25 = arith.divf %broadcast_in_dim3A, %div3A_24 : vector<2000x1xf32>
    %sub3A = vector.broadcast %div3A_25 : vector<2000x1xf32> to vector<2000x128xf32>
    %sub3A_26 = arith.subf %add3A_22, %sub3A : vector<2000x128xf32>
    %sub3A_27 = vector.broadcast %div3A_25 : vector<2000x1xf32> to vector<2000x128xf32>
    %sub3A_28 = arith.subf %add3A_22, %sub3A_27 : vector<2000x128xf32>
    %mul3A_29 = arith.mulf %sub3A_26, %sub3A_28 : vector<2000x128xf32>
    %reduce_sum3A_30 = arith.constant dense<0.000000e+00> : vector<2000xf32>
    %reduce_sum3A_31 = vector.multi_reduction <add>, %mul3A_29, %reduce_sum3A_30 [1] : vector<2000x128xf32> to vector<2000xf32>
    %broadcast_in_dim3A_32 = vector.shape_cast %reduce_sum3A_31 : vector<2000xf32> to vector<2000x1xf32>
    %div3A_33 = arith.constant 1.280000e+02 : f32
    %div3A_34 = vector.broadcast %div3A_33 : f32 to vector<2000x1xf32>
    %div3A_35 = arith.divf %broadcast_in_dim3A_32, %div3A_34 : vector<2000x1xf32>
    %sub3A_36 = vector.broadcast %div3A_25 : vector<2000x1xf32> to vector<2000x128xf32>
    %sub3A_37 = arith.subf %add3A_22, %sub3A_36 : vector<2000x128xf32>
    %add3A_38 = arith.constant 9.99999974E-6 : f32
    %add3A_39 = vector.broadcast %add3A_38 : f32 to vector<2000x1xf32>
    %add3A_40 = arith.addf %div3A_35, %add3A_39 : vector<2000x1xf32>
    %rsqrt3A = math.rsqrt %add3A_40 : vector<2000x1xf32>
    %mul3A_41 = vector.broadcast %rsqrt3A : vector<2000x1xf32> to vector<2000x128xf32>
    %mul3A_42 = arith.mulf %sub3A_37, %mul3A_41 : vector<2000x128xf32>
    %get3A_43 = arith.constant 0 : index
    %get3A_44 = arith.constant 0 : index
    %get3A_45 = vector.load %arg5[%get3A_43, %get3A_44] : memref<1x128xf32, #tpu.memory_space<vmem>>, vector<1x128xf32>
    %mul3A_46 = vector.broadcast %get3A_45 : vector<1x128xf32> to vector<2000x128xf32>
    %mul3A_47 = arith.mulf %mul3A_42, %mul3A_46 : vector<2000x128xf32>
    %get3A_48 = arith.constant 0 : index
    %get3A_49 = arith.constant 0 : index
    %get3A_50 = vector.load %arg6[%get3A_48, %get3A_49] : memref<1x128xf32, #tpu.memory_space<vmem>>, vector<1x128xf32>
    %add3A_51 = vector.broadcast %get3A_50 : vector<1x128xf32> to vector<2000x128xf32>
    %add3A_52 = arith.addf %mul3A_47, %add3A_51 : vector<2000x128xf32>
    %swap3A = arith.constant 0 : index
    %swap3A_53 = arith.constant 0 : index
    %swap3A_54 = vector.load %arg7[%swap3A, %swap3A_53] : memref<2000x128xf32, #tpu.memory_space<vmem>>, vector<2000x128xf32>
    tpu.vector_store %arg7[%swap3A, %swap3A_53], %add3A_52 {strides = array<i32>} : memref<2000x128xf32, #tpu.memory_space<vmem>>, vector<2000x128xf32>,
    return
  }
  func.func @transform_0(%arg0: i32) -> (i32, i32, i32) {
    %c0_i32 = arith.constant 0 : i32
    %c0_i32_0 = arith.constant 0 : i32
    %c0_i32_1 = arith.constant 0 : i32
    return %c0_i32, %arg0, %c0_i32_0 : i32, i32, i32
  }
  func.func @transform_1(%arg0: i32) -> (i32, i32) {
    %c0_i32 = arith.constant 0 : i32
    %c0_i32_0 = arith.constant 0 : i32
    return %arg0, %c0_i32 : i32, i32
  }
  func.func @transform_2(%arg0: i32) -> (i32, i32) {
    %c0_i32 = arith.constant 0 : i32
    %c0_i32_0 = arith.constant 0 : i32
    return %arg0, %c0_i32 : i32, i32
  }
  func.func @transform_3(%arg0: i32) -> (i32, i32) {
    %c0_i32 = arith.constant 0 : i32
    %c0_i32_0 = arith.constant 0 : i32
    return %arg0, %c0_i32 : i32, i32
  }
  func.func @transform_4(%arg0: i32) -> (i32, i32) {
    %c0_i32 = arith.constant 0 : i32
    %c0_i32_0 = arith.constant 0 : i32
    %c0_i32_1 = arith.constant 0 : i32
    return %c0_i32, %c0_i32_0 : i32, i32
  }
  func.func @transform_5(%arg0: i32) -> (i32, i32) {
    %c0_i32 = arith.constant 0 : i32
    %c0_i32_0 = arith.constant 0 : i32
    %c0_i32_1 = arith.constant 0 : i32
    return %c0_i32, %c0_i32_0 : i32, i32
  }
  func.func @transform_6(%arg0: i32) -> (i32, i32) {
    %c0_i32 = arith.constant 0 : i32
    %c0_i32_0 = arith.constant 0 : i32
    return %arg0, %c0_i32 : i32, i32
  }
}

</mosaic_0001>

<sc_bundles>
// kernel: closed_call.12.cloned.1.call-start
scs
__scs_entry_jumppad:
0x0: {  	(pc) =	sbr.rel $0x88, $3  }
0x1: {  	(tag) =	ssettag $0x0;
	lr =	simm.s32 $0x1  }
0x2: {  	[smem:$0x3F9A] =	sst lr;
	_ =	strace $0xD0000000  }
0x3: {  	_ = 	snop  }
0x4: {  	_ = 	snop  }
0x5: {  	_ = 	snop  }
0x6: {  	_ = 	snop  }
0x7: {  	_ = 	snop  }
__scs_overlays_trampoline_lowered:
0x8: {  	[smem:$0x3FA9] =	sst s0  }
0x9: {  	[smem:$0x3FAA] =	sst s1  }
0xa: {  	[smem:$0x3FAB] =	sst s2  }
0xb: {  	[smem:$0x3FAC] =	sst s3  }
0xc: {  	[smem:$0x3FAD] =	sst s4  }
0xd: {  	[smem:$0x3FAE] =	sst s5  }
0xe: {  	[smem:$0x3FAF] =	sst s6  }
0xf: {  	[smem:$0x3FB0] =	sst s7  }
0x10: {  	[smem:$0x3FB1] =	sst s8  }
0x11: {  	[smem:$0x3FB2] =	sst s9;
	s0 =	simm.s32 @!p0 $0x0  }
0x12: {  	s1 =	sld [smem:$0x3F98];
	s0 =	simm.s32 @p0 $0x1  }
0x13: {  	[smem:$0x3FB3] =	sst s0;
	s0 =	simm.s32 @!p1 $0x0  }
0x14: {  	s2 =	sld [smem:$0x3F97];
	s0 =	simm.s32 @p1 $0x1  }
0x15: {  	[smem:$0x3FB4] =	sst s0;
	s0 =	simm.s32 @!p2 $0x0  }
0x16: {  	s3 =	sld [smem:$0x3FDB];
	s0 =	simm.s32 @p2 $0x1  }
0x17: {  	s4 =	simm.s32 $0x1BF5;
	[smem:$0x3FB6] =	sst s0  }
0x18: {  	s0 =	sld [smem:$0x3F99];
	_ =	swait.ge [sflag:s4], $0x0  }
0x19: {  	s7 =	sld [smem:$0x3F9A]  }
0x1a: {  	s8 =	sadd.s32 $0xFFFFE003, lr  }
0x1b: {  	s9 =	sadd.s32 $0xFFFFFEF7, lr;
	s5 =	simm.s32 $0xFFFFFFFF;
	p2 =	slt.u32 s8, $0xFFFFF086  }
0x1c: {  	p1 =	slt.u32 s9, $0xF7A;
	s5 =	simm.s32 @!p2 $0x0  }
0x1d: {  	s5 =	simm.s32 @p1 $0x1;
	p0 =	seq.s32 s7, s2  }
0x1e: {  	s7 =	smul.u32 @!p0 $0xF7A, s2;
	p2 =	seq.s32 @!p0 s5, $0x0  }
0x1f: {  	s9 =	smul.u32 $0xF7A, s1;
	s8 =	simm.s32 @!p0 $0x1BF5;
	p2 =	por !p2, p0  }
0x20: {  	[sflag:s8] =	ssyncset.s32 @!p0 $0xFFFFF086;
	s6 =	sadd.s32 @!p0 s3, s7;
	s7 =	simm.s32 @!p0 $0x108  }
0x21: {  	s3 =	sadd.s32 s3, s9;
	s6 =	sadd.s32 @!p0 $0x88, s6;
	s7 =	simm.s32 @p2 $0x1082  }
0x22: {  	[simem:s7], [sflag:s8] =	dma.local @!p0 [hbm:s6], $0xF7A  }
0x23: {  	s9 =	sor.u32 $0xD0000000, s2;
	s6 =	simm.s32 $0x108;
	_ =	swait.ge @!p0 [sflag:s8], $0x0  }
0x24: {  	s3 =	sadd.s32 $0x88, s3;
	s6 =	simm.s32 @!p1 $0x1082;
	[sflag:s4] =	ssyncset.s32 $0xFFFFF086  }
0x25: {  	[simem:s6], [sflag:s4] =	dma.local [hbm:s3], $0xF7A  }
0x26: {  	[smem:$0x3F9A] =	sst s1;
	(tag) =	ssettag s2;
	_ =	strace s9  }
0x27: {  	s1 =	sld [smem:$0x3FAA]  }
0x28: {  	s2 =	sld [smem:$0x3FAB]  }
0x29: {  	s4 =	sld [smem:$0x3FAD]  }
0x2a: {  	p0 =	seq.s32 s5, $0x0;
	s5 =	sld [smem:$0x3FAE]  }
0x2b: {  	s6 =	sld [smem:$0x3FAF]  }
0x2c: {  	s7 =	sld [smem:$0x3FB0]  }
0x2d: {  	s3 =	simm.s32 $0x108;
	s8 =	sld [smem:$0x3FB1]  }
0x2e: {  	s3 =	simm.s32 @!p0 $0x1082;
	s9 =	sld [smem:$0x3FB2]  }
0x2f: {  	lr =	sadd.s32 s0, s3;
	s0 =	sld [smem:$0x3FA9]  }
0x30: {  	s3 =	sld [smem:$0x3FAC]  }
0x31: {  	[smem:$0x3FB5] =	sst s10  }
0x32: {  	s10 =	sld [smem:$0x3FB3];
	_ =	sdelay $0x3  }
0x33: {  	p0 =	seq.s32 s10, $0x1;
	s10 =	sld [smem:$0x3FB5];
	_ =	sdelay $0x3  }
0x34: {  	[smem:$0x3FB5] =	sst s10  }
0x35: {  	s10 =	sld [smem:$0x3FB4];
	_ =	sdelay $0x3  }
0x36: {  	p1 =	seq.s32 s10, $0x1;
	s10 =	sld [smem:$0x3FB5];
	_ =	sdelay $0x3  }
0x37: {  	[smem:$0x3FB5] =	sst s10  }
0x38: {  	s10 =	sld [smem:$0x3FB6]  }
0x39: {  	_ = 	snop;
	(pc) =	sbr.ind lr, $3  }
0x3a: {  	_ = 	snop  }
0x3b: {  	_ = 	snop  }
0x3c: {  	p2 =	seq.s32 s10, $0x1;
	s10 =	sld [smem:$0x3FB5]  }
0x3d: {  	_ =	shalt  }
0x3e: {  	_ =	shalt  }
0x3f: {  	_ =	shalt  }
0x40: {  	_ =	shalt  }
0x41: {  	_ =	shalt  }
0x42: {  	_ =	shalt  }
0x43: {  	_ =	shalt  }
0x44: {  	_ =	shalt  }
0x45: {  	_ =	shalt  }
0x46: {  	_ =	shalt  }
0x47: {  	_ =	shalt  }
0x48: {  	_ =	shalt  }
0x49: {  	_ =	shalt  }
0x4a: {  	_ =	shalt  }
0x4b: {  	_ =	shalt  }
0x4c: {  	_ =	shalt  }
0x4d: {  	_ =	shalt  }
0x4e: {  	_ =	shalt  }
0x4f: {  	_ =	shalt  }
0x50: {  	_ =	shalt  }
0x51: {  	_ =	shalt  }
0x52: {  	_ =	shalt  }
0x53: {  	_ =	shalt  }
0x54: {  	_ =	shalt  }
0x55: {  	_ =	shalt  }
0x56: {  	_ =	shalt  }
0x57: {  	_ =	shalt  }
0x58: {  	_ =	shalt  }
0x59: {  	_ =	shalt  }
0x5a: {  	_ =	shalt  }
0x5b: {  	_ =	shalt  }
0x5c: {  	_ =	shalt  }
0x5d: {  	_ =	shalt  }
0x5e: {  	_ =	shalt  }
0x5f: {  	_ =	shalt  }
0x60: {  	_ =	shalt  }
0x61: {  	_ =	shalt  }
0x62: {  	_ =	shalt  }
0x63: {  	_ =	shalt  }
0x64: {  	_ =	shalt  }
0x65: {  	_ =	shalt  }
0x66: {  	_ =	shalt  }
0x67: {  	_ =	shalt  }
0x68: {  	_ =	shalt  }
0x69: {  	_ =	shalt  }
0x6a: {  	_ =	shalt  }
0x6b: {  	_ =	shalt  }
0x6c: {  	_ =	shalt  }
0x6d: {  	_ =	shalt  }
0x6e: {  	_ =	shalt  }
0x6f: {  	_ =	shalt  }
0x70: {  	_ =	shalt  }
0x71: {  	_ =	shalt  }
0x72: {  	_ =	shalt  }
0x73: {  	_ =	shalt  }
0x74: {  	_ =	shalt  }
0x75: {  	_ =	shalt  }
0x76: {  	_ =	shalt  }
0x77: {  	_ =	shalt  }
0x78: {  	_ =	shalt  }
0x79: {  	_ =	shalt  }
0x7a: {  	_ =	shalt  }
0x7b: {  	_ =	shalt  }
0x7c: {  	_ =	shalt  }
0x7d: {  	_ =	shalt  }
0x7e: {  	_ =	shalt  }
0x7f: {  	_ =	shalt  }
0x80: {  	_ =	shalt  }
0x81: {  	_ =	shalt  }
0x82: {  	_ =	shalt  }
0x83: {  	_ =	shalt  }
0x84: {  	_ =	shalt  }
0x85: {  	_ =	shalt  }
0x86: {  	_ =	shalt  }
0x87: {  	_ =	shalt  }
.Lfunc_end0:
.L_simem_size_0:
called_computation_lowered:
.L_overlay_start_0:
0x88: {  	s2 =	sld [smem:$0x3FD9]  }
0x89: {  	s3 =	sld [smem:$0x3FFE];
	_ =	sdelay $0x1  }
0x8a: {  	s1 =	srdreg.scid  }
0x8b: {  	s0 =	sand.u32 $0x1, s1  }
0x8c: {  	s16 =	sshll.u32 s0, $0xA;
	s2 =	sadd.s32 s3, s2  }
0x8d: {  	s2 =	sadd.s32 s2, s16  }
0x8e: {  	[smem:$0x3FC1] =	sst s2  }
0x8f: {  	_ = 	snop  }
0x90: {  	(tm) =	ssettm $0x1  }
0x91: {  	s17 =	sld [smem:$0x3FFB];
	_ =	sdelay $0x3  }
0x92: {  	_ =	strace s17  }
0x93: {  	s2 =	sld [smem:$0x3FFC];
	_ =	sdelay $0x3  }
0x94: {  	_ =	strace s2  }
0x95: {  	s2 =	sld [smem:$0x3FFD];
	_ =	sdelay $0x3  }
0x96: {  	_ =	strace s2  }
0x97: {  	_ =	strace $0x8FFFFFFF  }
0x98: {  	s18 =	sld [smem:$0x3FDB];
	_ =	sdelay $0x1  }
0x99: {  	s19 =	simm.s32 $_scs_section_size  }
0x9a: {  	s4 =	simm.s32 $_size__tile_overlayer_lowered;
	s5 =	simm.s32 $_tile_overlayer_lowered  }
0x9b: {  	s22 =	simm.s32 $0x1BFF;
	s21 =	sshll.u32 s5, $0x1;
	s2 =	sadd.s32 s19, s18  }
0x9c: {  	s6 =	simm.s32 $0x0;
	s20 =	sshll.u32 s4, $0x1;
	s4 =	sadd.s32 s21, s2  }
0x9d: {  	[timem:s6], [sflag:s22] =	dma.local [hbm:s4], s20  }
0x9e: {  	_ =	swait.ge [sflag:s22], s20  }
0x9f: {  	s3 =	ssub.s32 $0x0, s20;
	[sflag:s22] =	ssyncset.done $0x0  }
0xa0: {  	[sflag:s22] =	ssyncadd.s32 s3;
	_ =	sdelay $0x1  }
0xa1: {  	s23 =	simm.s32 $0x1B8B  }
0xa2: {  	_ =	swait.ge [sflag:s23], $0x1  }
0xa3: {  	[sflag:s23] =	ssyncset.done $0x0  }
0xa4: {  	s25 =	simm.s32 $0x1B8E;
	s24 =	sld [smem:$0x3FFE];
	[sflag:s23] =	ssyncadd.s32 $0xFFFFFFFF  }
0xa5: {  	s26 =	simm.s32 $execute0_lowered;
	[smem:$0x3FD2] =	sst s25  }
0xa6: {  	s4 =	sshll.u32 s26, $0x1;
	_ =	strace $0x80000049;
	[dreg:$0x1] =	wrdreg $0xFFFFFFFF  }
0xa7: {  	s28 =	simm.s32 $_size_execute0_lowered;
	s2 =	sadd.s32 s2, s4;
	[dreg:$0x0] =	wrdreg $0x0  }
0xa8: {  	s4 =	sshll.u32 s28, $0x1;
	[dreg:$0x2] =	wrdreg s2  }
0xa9: {  	[dreg:$0x3] =	wrdreg s4  }
0xaa: {  	[dreg:$0x4] =	wrdreg $0xC0  }
0xab: {  	_ =	task [dreg:s6], $0x5FFFF  }
0xac: {  	[dreg:$0x1] =	wrdreg $0xFFFFFFFF  }
0xad: {  	[dreg:$0x0] =	wrdreg $0x60  }
0xae: {  	[dreg:$0x2] =	wrdreg s24  }
0xaf: {  	[dreg:$0x3] =	wrdreg $0x41000  }
0xb0: {  	[dreg:$0x4] =	wrdreg $0x9  }
0xb1: {  	_ =	task.clear_ibuf [dreg:s6], $0x5FFFF;
	_ =	strace $0x90000049  }
0xb2: {  	s29 =	simm.s32 $0x9;
	_ =	strace $0x8000004B  }
0xb3: {  	_ =	swait.ge [sflag:s29], $0x1  }
0xb4: {  	[sflag:s29] =	ssyncadd.s32 $0xFFFFFFFF  }
0xb5: {  	_ =	strace $0x9000004B  }
0xb6: {  	_ =	sfence  }
0xb7: {  	s30 =	sld [smem:$0x0];
	_ =	sdelay $0x2  }
0xb8: {  	s31 =	sshll.u32 s1, $0xD;
	s1 =	sshrl.u32 s1, $0x2  }
0xb9: {  	s3 =	sand.u32 $0x4000, s31;
	s1 =	sadd.s32 s1, s30  }
0xba: {  	s0 =	sor.u32 s3, s0;
	s1 =	sshll.u32 s1, $0x11  }
0xbb: {  	s0 =	sor.u32 s1, s0  }
0xbc: {  	s0 =	sadd.s32 $0x8F2B, s0  }
0xbd: {  	[sflag:s0] =	ssyncadd.remote.s32 $0x1  }
0xbe: {  	_ =	sfence.sel $0xFFFF  }
0xbf: {  	[dreg:$0x0] =	wrdreg $0xFFFFFFFF;
	(pc) =	sbr.abs _section_cstart, $3  }
0xc0: {  	[dreg:$0x1] =	wrdreg $0xFFFFFFFF  }
0xc1: {  	_ =	task.clear_ibuf [dreg:s6], $0x2FFFF;
	_ =	strace $0x9FFFFFFF  }
0xc2: {  	(tm) =	ssettm $0x7FFFFFFF  }
0xc3: {  	_ =	shalt  }
tec
execute0_lowered:
.L_overlay_start_1:
0x0: {  	(tag) =	ssettag $0x1  }
0x1: {  	s5 =	rddreg [dreg:$0x0];
	s0 =	srdreg.scid  }
0x2: {  	s2 =	rddreg [dreg:$0x1];
	s1 =	stileid.u32;
	s3 =	simm.s32 $0x0  }
0x3: {  	s15 =	simm.s32 $0x2;
	s16 =	simm.s32 $0x80;
	s7 =	smul.u32 $0x13C00, s1  }
0x4: {  	s17 =	simm.s32 $0x1;
	s20 =	simm.s32 $0x0;
	s9 =	smul.u32 $0x4F000, s1  }
0x5: {  	s6 =	sand.u32 $0x1, s0;
	s0 =	rddreg [dreg:$0x2];
	s12 =	smul.u32 $0x4F0, s1  }
0x6: {  	[smem:$0x7FF] =	sst s3;
	s18 =	sshll.u32 s1, $0x6;
	s4 =	smul.u32 $0x13C000, s6  }
0x7: {  	s8 =	smul.u32 $0x4F00, s6;
	_ =	strace $0x8000004A;
	s6 =	ssub.s32 $0x2, s6  }
0x8: {  	s18 =	sor.u32 $0x1C02, s18;
	s30 =	sshrl.u32 s9, $0x2;
	s31 =	sshrl.u32 s6, $0x1  }
0x9: {  	s7 =	sadd.s32 s7, s4;
	s4 =	sadd.s32 $0x145400, s5;
	s10 =	sadd.s32 s8, s5  }
0xa: {  	s13 =	ssub.s32 s6, s31;
	s7 =	sshrl.u32 s7, $0x3;
	s14 =	sadd.s32 s12, s10  }
0xb: {  	s11 =	sadd.s32 s7, s5;
	s5 =	sadd.s32 s30, s2;
	s12 =	sadd.s32 $0xBC00, s14  }
0xc: {  	s6 =	sadd.s32 $0x4000, s5;
	s7 =	sadd.s32 $0x8000, s5;
	s8 =	sadd.s32 $0xC000, s5  }
0xd: {  	s9 =	sadd.s32 $0x10000, s5;
	s10 =	sadd.s32 $0x208A00, s11;
	s11 =	smax.u32 s13, $0x1  }
0xe: {  	v0 =	vimm.f32 $0.0e+00;
	s13 =	sadd.s32 $0x1E00, s14;
	s14 =	simm.s32 $0x100;
	s19 =	sshrl.u32 s5, $0x3  }
.LBB2_1:
0xf: {  	s21 =	simm.s32 $0x0;
	s22 =	simm.s32 $0x200  }
.LBB2_2:
0x10: {  	p0 =	sne.s32 s22, $0xFE00;
	[tilespmem:s21+$0x170] =	vst v0  }
0x11: {  	[tilespmem:s21+$0x100] =	vst v0  }
0x12: {  	[tilespmem:s21+$0x110] =	vst v0  }
.Ltmp0:
0x13: {  	[tilespmem:s21+$0x120] =	vst v0;
	(pc) =	sbr.rel @p0 .LBB2_2-.Ltmp0, $4  }
0x14: {  	[tilespmem:s21+$0x130] =	vst v0  }
0x15: {  	[tilespmem:s21+$0x140] =	vst v0  }
0x16: {  	[tilespmem:s21+$0x150] =	vst v0  }
0x17: {  	[tilespmem:s21+$0x160] =	vst v0;
	s21 =	sshra.s32 s22, $0x2;
	s22 =	sadd.s32 $0x200, s22  }
0x18: {  	[tilespmem:s21+$0x170] =	vst v0  }
0x19: {  	[tilespmem:s21+$0x100] =	vst v0  }
0x1a: {  	[tilespmem:s21+$0x110] =	vst v0  }
0x1b: {  	[tilespmem:s21+$0x120] =	vst v0  }
0x1c: {  	[tilespmem:s21+$0x130] =	vst v0  }
0x1d: {  	[tilespmem:s21+$0x140] =	vst v0  }
0x1e: {  	[tilespmem:s21+$0x150] =	vst v0  }
0x1f: {  	[tilespmem:s21+$0x160] =	vst v0  }
0x20: {  	[spmem:s5] =	stream.linear.scatter [tilespmem:s14], [sflag:$0x2], $0x4000, $0x38;
	[tilespmem:$0x17D00] =	vst v63  }
0x21: {  	_ =	swait.ge [sflag:s15], $0x4000  }
0x22: {  	[sflag:s15] =	ssyncset.done $0x0  }
0x23: {  	[sflag:s15] =	ssyncadd.s32 $0xFFFFC000  }
0x24: {  	[spmem:s6] =	stream.linear.scatter [tilespmem:s14], [sflag:$0x2], $0x4000, $0x38;
	[tilespmem:$0x17D00] =	vst v63  }
0x25: {  	_ =	swait.ge [sflag:s15], $0x4000  }
0x26: {  	[sflag:s15] =	ssyncset.done $0x0  }
0x27: {  	[sflag:s15] =	ssyncadd.s32 $0xFFFFC000  }
0x28: {  	[spmem:s7] =	stream.linear.scatter [tilespmem:s14], [sflag:$0x2], $0x4000, $0x38;
	[tilespmem:$0x17D00] =	vst v63  }
0x29: {  	_ =	swait.ge [sflag:s15], $0x4000  }
0x2a: {  	[sflag:s15] =	ssyncset.done $0x0  }
0x2b: {  	[sflag:s15] =	ssyncadd.s32 $0xFFFFC000  }
0x2c: {  	[spmem:s8] =	stream.linear.scatter [tilespmem:s14], [sflag:$0x2], $0x4000, $0x38;
	[tilespmem:$0x17D00] =	vst v63  }
0x2d: {  	_ =	swait.ge [sflag:s15], $0x4000  }
0x2e: {  	[sflag:s15] =	ssyncset.done $0x0  }
0x2f: {  	[sflag:s15] =	ssyncadd.s32 $0xFFFFC000  }
0x30: {  	[spmem:s9] =	stream.linear.scatter [tilespmem:s14], [sflag:$0x2], $0x3C00, $0x38;
	[tilespmem:$0x17D00] =	vst v63  }
0x31: {  	_ =	swait.ge [sflag:s15], $0x3C00  }
0x32: {  	[sflag:s15] =	ssyncset.done $0x0  }
0x33: {  	[sflag:s15] =	ssyncadd.s32 $0xFFFFC400  }
0x34: {  	s30 =	sadd.s32 $0x0, s13;
	[bflag:$0x0] =	sbarrier.arrive $0xFFFF  }
0x35: {  	[tilespmem:s16], [sflag:$0x2] =	stream.linear.gather [hbm4b:s30+s3], $0x80, $0x38;
	[tilespmem:$0x17D00] =	vst v63  }
0x36: {  	_ =	swait.ge [sflag:s15], $0x80  }
0x37: {  	[sflag:s15] =	ssyncset.done $0x0  }
0x38: {  	s31 =	sadd.s32 $0x0, s12;
	[sflag:s15] =	ssyncadd.s32 $0xFFFFFF80  }
0x39: {  	[tilespmem:s3], [sflag:$0x2] =	stream.linear.gather [hbm4b:s31+s3], $0x80, $0x38;
	[tilespmem:$0x17D00] =	vst v63  }
0x3a: {  	_ =	swait.ge [sflag:s15], $0x80  }
0x3b: {  	[sflag:s15] =	ssyncset.done $0x0  }
0x3c: {  	[sflag:s15] =	ssyncadd.s32 $0xFFFFFF80  }
0x3d: {  	[tilespmem:s14], [sflag:$0x1] =	stream.indirect.gather [hbm4b:s4+s16], $0x80, s3, s16, $0xb8;
	[tilespmem:$0x17D00] =	vst v63  }
0x3e: {  	_ =	swait.ge [sflag:s17], $0x4000  }
0x3f: {  	[sflag:s17] =	ssyncset.done $0x0  }
0x40: {  	[sflag:s17] =	ssyncadd.s32 $0xFFFFC000  }
0x41: {  	[spmem:s2] =	stream.indirect.scatter.add.f32 [tilespmem:s14], [sflag:$0x2], $0x80, s16, s16, $0xb8;
	[tilespmem:$0x17D00] =	vst v63  }
0x42: {  	_ =	swait.ge [sflag:s15], $0x4000  }
0x43: {  	s21 =	simm.s32 $0x10;
	s22 =	simm.s32 $0x20;
	[sflag:s15] =	ssyncset.done $0x0  }
.LBB2_4:
0x44: {  	s23 =	sadd.s32 s21, s13  }
0x45: {  	[sflag:s15] =	ssyncadd.s32 $0xFFFFC000;
	s24 =	smov.u32 s22;
	s25 =	sadd.s32 $0x10, s22  }
0x46: {  	[tilespmem:s16], [sflag:$0x2] =	stream.linear.gather [hbm4b:s23+s3], $0x80, $0x38;
	[tilespmem:$0x17D00] =	vst v63  }
0x47: {  	p0 =	sne.s32 s22, $0x4E0;
	_ =	swait.ge [sflag:s15], $0x80  }
0x48: {  	[sflag:s15] =	ssyncset.done $0x0  }
0x49: {  	s22 =	sadd.s32 s21, s12;
	s21 =	smov.u32 s24;
	[sflag:s15] =	ssyncadd.s32 $0xFFFFFF80  }
0x4a: {  	[tilespmem:s3], [sflag:$0x2] =	stream.linear.gather [hbm4b:s22+s3], $0x80, $0x38;
	[tilespmem:$0x17D00] =	vst v63  }
0x4b: {  	_ =	swait.ge [sflag:s15], $0x80  }
0x4c: {  	[sflag:s15] =	ssyncset.done $0x0  }
0x4d: {  	[sflag:s15] =	ssyncadd.s32 $0xFFFFFF80  }
0x4e: {  	[tilespmem:s14], [sflag:$0x1] =	stream.indirect.gather [hbm4b:s4+s16], $0x80, s3, s16, $0xb8;
	[tilespmem:$0x17D00] =	vst v63  }
0x4f: {  	_ =	swait.ge [sflag:s17], $0x4000  }
.Ltmp1:
0x50: {  	[sflag:s17] =	ssyncset.done $0x0;
	(pc) =	sbr.rel @p0 .LBB2_4-.Ltmp1, $4  }
0x51: {  	[sflag:s17] =	ssyncadd.s32 $0xFFFFC000  }
0x52: {  	[spmem:s2] =	stream.indirect.scatter.add.f32 [tilespmem:s14], [sflag:$0x2], $0x80, s16, s16, $0xb8;
	[tilespmem:$0x17D00] =	vst v63  }
0x53: {  	_ =	swait.ge [sflag:s15], $0x4000  }
0x54: {  	s22 =	smov.u32 s25;
	[sflag:s15] =	ssyncset.done $0x0  }
0x55: {  	s22 =	sadd.s32 s21, s13;
	[sflag:s15] =	ssyncadd.s32 $0xFFFFC000  }
0x56: {  	[tilespmem:s16], [sflag:$0x2] =	stream.linear.gather [hbm4b:s22+s3], $0x80, $0x38;
	[tilespmem:$0x17D00] =	vst v63  }
0x57: {  	_ =	swait.ge [sflag:s15], $0x80  }
0x58: {  	[sflag:s15] =	ssyncset.done $0x0  }
0x59: {  	s31 =	sadd.s32 s21, s12;
	[sflag:s15] =	ssyncadd.s32 $0xFFFFFF80  }
0x5a: {  	[tilespmem:s3], [sflag:$0x2] =	stream.linear.gather [hbm4b:s31+s3], $0x80, $0x38;
	[tilespmem:$0x17D00] =	vst v63  }
0x5b: {  	_ =	swait.ge [sflag:s15], $0x80  }
0x5c: {  	[sflag:s15] =	ssyncset.done $0x0  }
0x5d: {  	[sflag:s15] =	ssyncadd.s32 $0xFFFFFF80  }
0x5e: {  	[tilespmem:s14], [sflag:$0x1] =	stream.indirect.gather [hbm4b:s4+s16], $0x80, s3, s16, $0xb8;
	[tilespmem:$0x17D00] =	vst v63  }
0x5f: {  	_ =	swait.ge [sflag:s17], $0x4000  }
0x60: {  	[sflag:s17] =	ssyncset.done $0x0  }
0x61: {  	[sflag:s17] =	ssyncadd.s32 $0xFFFFC000  }
0x62: {  	[spmem:s2] =	stream.indirect.scatter.add.f32 [tilespmem:s14], [sflag:$0x2], $0x80, s16, s16, $0xb8;
	[tilespmem:$0x17D00] =	vst v63  }
0x63: {  	_ =	swait.ge [sflag:s15], $0x4000  }
0x64: {  	s20 =	sadd.s32 $0x1, s20;
	[sflag:s15] =	ssyncset.done $0x0  }
0x65: {  	p0 =	sne.s32 s20, s11;
	[sflag:s15] =	ssyncadd.s32 $0xFFFFC000  }
.Ltmp2:
0x66: {  	[bflag:$0x0] =	sbarrier.arrive $0xFFFF;
	(pc) =	sbr.rel @p0 .LBB2_1-.Ltmp2, $4  }
0x67: {  	[hbm:s10], [sflag:s18] =	dma.local [spmem:s19], $0x2780  }
0x68: {  	_ =	swait.ge [sflag:s15], $0x2780  }
0x69: {  	[sflag:s15] =	ssyncset.done $0x0  }
0x6a: {  	[sflag:s15] =	ssyncadd.s32 $0xFFFFD880  }
0x6b: {  	_ =	sfence.sel $0x180000  }
0x6c: {  	[bflag:$0x0] =	sbarrier.arrive $0xFFFF  }
0x6d: {  	p0 =	sne.s32 s1, $0x0;
	_ =	strace $0x9000004A  }
0x6e: {  	s0 =	sadd.s32 @!p0 $0x100000, s0;
	[bflag:$0x2] =	sbarrier.arrive $0xFFFF  }
0x6f: {  	[sflag:s0] =	ssyncadd.tile.s32 @!p0 $0x1;
	_ =	shalt  }
.Lfunc_end2:
_tile_overlayer_lowered:
.L_overlay_start_2:
0x70: {  	(tag) =	ssettag $0x2  }
0x71: {  	s0 =	rddreg [dreg:$0x0];
	s2 =	stileid.u32  }
0x72: {  	s1 =	rddreg [dreg:$0x1];
	p0 =	sne.s32 s2, $0x0  }
0x73: {  	s3 =	rddreg [dreg:$0x2];
	[bflag:$0x3] =	sbarrier.arrive $0xFFFF;
	s2 =	simm.s32 @!p0 $0x1C02  }
0x74: {  	[timem:s3], [sflag:s2] =	dma.local @!p0 [hbm:s0], s1  }
0x75: {  	s0 =	simm.s32 @!p0 $0x2  }
0x76: {  	_ =	swait.ge @!p0 [sflag:s0], s1  }
0x77: {  	s1 =	ssub.s32 @!p0 $0x0, s1;
	[sflag:s0] =	ssyncset.done @!p0 $0x0  }
0x78: {  	[sflag:s0] =	ssyncadd.s32 @!p0 s1  }
0x79: {  	[bflag:$0x3] =	sbarrier.arrive $0xFFFF  }
0x7a: {  	_ =	shalt  }

// kernel: kernel.4.cloned.1.call-start
scs
__scs_entry_jumppad:
0x0: {  	(pc) =	sbr.rel $0x88, $3  }
0x1: {  	(tag) =	ssettag $0x0;
	lr =	simm.s32 $0x1  }
0x2: {  	[smem:$0x3F9A] =	sst lr;
	_ =	strace $0xD0000000  }
0x3: {  	_ = 	snop  }
0x4: {  	_ = 	snop  }
0x5: {  	_ = 	snop  }
0x6: {  	_ = 	snop  }
0x7: {  	_ = 	snop  }
__scs_overlays_trampoline_lowered:
0x8: {  	[smem:$0x3FA9] =	sst s0  }
0x9: {  	[smem:$0x3FAA] =	sst s1  }
0xa: {  	[smem:$0x3FAB] =	sst s2  }
0xb: {  	[smem:$0x3FAC] =	sst s3  }
0xc: {  	[smem:$0x3FAD] =	sst s4  }
0xd: {  	[smem:$0x3FAE] =	sst s5  }
0xe: {  	[smem:$0x3FAF] =	sst s6  }
0xf: {  	[smem:$0x3FB0] =	sst s7  }
0x10: {  	[smem:$0x3FB1] =	sst s8  }
0x11: {  	[smem:$0x3FB2] =	sst s9;
	s0 =	simm.s32 @!p0 $0x0  }
0x12: {  	s1 =	sld [smem:$0x3F98];
	s0 =	simm.s32 @p0 $0x1  }
0x13: {  	[smem:$0x3FB3] =	sst s0;
	s0 =	simm.s32 @!p1 $0x0  }
0x14: {  	s2 =	sld [smem:$0x3F97];
	s0 =	simm.s32 @p1 $0x1  }
0x15: {  	[smem:$0x3FB4] =	sst s0;
	s0 =	simm.s32 @!p2 $0x0  }
0x16: {  	s3 =	sld [smem:$0x3FDB];
	s0 =	simm.s32 @p2 $0x1  }
0x17: {  	s4 =	simm.s32 $0x1BF5;
	[smem:$0x3FB6] =	sst s0  }
0x18: {  	s0 =	sld [smem:$0x3F99];
	_ =	swait.ge [sflag:s4], $0x0  }
0x19: {  	s7 =	sld [smem:$0x3F9A]  }
0x1a: {  	s8 =	sadd.s32 $0xFFFFE003, lr  }
0x1b: {  	s9 =	sadd.s32 $0xFFFFFEF7, lr;
	s5 =	simm.s32 $0xFFFFFFFF;
	p2 =	slt.u32 s8, $0xFFFFF086  }
0x1c: {  	p1 =	slt.u32 s9, $0xF7A;
	s5 =	simm.s32 @!p2 $0x0  }
0x1d: {  	s5 =	simm.s32 @p1 $0x1;
	p0 =	seq.s32 s7, s2  }
0x1e: {  	s7 =	smul.u32 @!p0 $0xF7A, s2;
	p2 =	seq.s32 @!p0 s5, $0x0  }
0x1f: {  	s9 =	smul.u32 $0xF7A, s1;
	s8 =	simm.s32 @!p0 $0x1BF5;
	p2 =	por !p2, p0  }
0x20: {  	[sflag:s8] =	ssyncset.s32 @!p0 $0xFFFFF086;
	s6 =	sadd.s32 @!p0 s3, s7;
	s7 =	simm.s32 @!p0 $0x108  }
0x21: {  	s3 =	sadd.s32 s3, s9;
	s6 =	sadd.s32 @!p0 $0x88, s6;
	s7 =	simm.s32 @p2 $0x1082  }
0x22: {  	[simem:s7], [sflag:s8] =	dma.local @!p0 [hbm:s6], $0xF7A  }
0x23: {  	s9 =	sor.u32 $0xD0000000, s2;
	s6 =	simm.s32 $0x108;
	_ =	swait.ge @!p0 [sflag:s8], $0x0  }
0x24: {  	s3 =	sadd.s32 $0x88, s3;
	s6 =	simm.s32 @!p1 $0x1082;
	[sflag:s4] =	ssyncset.s32 $0xFFFFF086  }
0x25: {  	[simem:s6], [sflag:s4] =	dma.local [hbm:s3], $0xF7A  }
0x26: {  	[smem:$0x3F9A] =	sst s1;
	(tag) =	ssettag s2;
	_ =	strace s9  }
0x27: {  	s1 =	sld [smem:$0x3FAA]  }
0x28: {  	s2 =	sld [smem:$0x3FAB]  }
0x29: {  	s4 =	sld [smem:$0x3FAD]  }
0x2a: {  	p0 =	seq.s32 s5, $0x0;
	s5 =	sld [smem:$0x3FAE]  }
0x2b: {  	s6 =	sld [smem:$0x3FAF]  }
0x2c: {  	s7 =	sld [smem:$0x3FB0]  }
0x2d: {  	s3 =	simm.s32 $0x108;
	s8 =	sld [smem:$0x3FB1]  }
0x2e: {  	s3 =	simm.s32 @!p0 $0x1082;
	s9 =	sld [smem:$0x3FB2]  }
0x2f: {  	lr =	sadd.s32 s0, s3;
	s0 =	sld [smem:$0x3FA9]  }
0x30: {  	s3 =	sld [smem:$0x3FAC]  }
0x31: {  	[smem:$0x3FB5] =	sst s10  }
0x32: {  	s10 =	sld [smem:$0x3FB3];
	_ =	sdelay $0x3  }
0x33: {  	p0 =	seq.s32 s10, $0x1;
	s10 =	sld [smem:$0x3FB5];
	_ =	sdelay $0x3  }
0x34: {  	[smem:$0x3FB5] =	sst s10  }
0x35: {  	s10 =	sld [smem:$0x3FB4];
	_ =	sdelay $0x3  }
0x36: {  	p1 =	seq.s32 s10, $0x1;
	s10 =	sld [smem:$0x3FB5];
	_ =	sdelay $0x3  }
0x37: {  	[smem:$0x3FB5] =	sst s10  }
0x38: {  	s10 =	sld [smem:$0x3FB6]  }
0x39: {  	_ = 	snop;
	(pc) =	sbr.ind lr, $3  }
0x3a: {  	_ = 	snop  }
0x3b: {  	_ = 	snop  }
0x3c: {  	p2 =	seq.s32 s10, $0x1;
	s10 =	sld [smem:$0x3FB5]  }
0x3d: {  	_ =	shalt  }
0x3e: {  	_ =	shalt  }
0x3f: {  	_ =	shalt  }
0x40: {  	_ =	shalt  }
0x41: {  	_ =	shalt  }
0x42: {  	_ =	shalt  }
0x43: {  	_ =	shalt  }
0x44: {  	_ =	shalt  }
0x45: {  	_ =	shalt  }
0x46: {  	_ =	shalt  }
0x47: {  	_ =	shalt  }
0x48: {  	_ =	shalt  }
0x49: {  	_ =	shalt  }
0x4a: {  	_ =	shalt  }
0x4b: {  	_ =	shalt  }
0x4c: {  	_ =	shalt  }
0x4d: {  	_ =	shalt  }
0x4e: {  	_ =	shalt  }
0x4f: {  	_ =	shalt  }
0x50: {  	_ =	shalt  }
0x51: {  	_ =	shalt  }
0x52: {  	_ =	shalt  }
0x53: {  	_ =	shalt  }
0x54: {  	_ =	shalt  }
0x55: {  	_ =	shalt  }
0x56: {  	_ =	shalt  }
0x57: {  	_ =	shalt  }
0x58: {  	_ =	shalt  }
0x59: {  	_ =	shalt  }
0x5a: {  	_ =	shalt  }
0x5b: {  	_ =	shalt  }
0x5c: {  	_ =	shalt  }
0x5d: {  	_ =	shalt  }
0x5e: {  	_ =	shalt  }
0x5f: {  	_ =	shalt  }
0x60: {  	_ =	shalt  }
0x61: {  	_ =	shalt  }
0x62: {  	_ =	shalt  }
0x63: {  	_ =	shalt  }
0x64: {  	_ =	shalt  }
0x65: {  	_ =	shalt  }
0x66: {  	_ =	shalt  }
0x67: {  	_ =	shalt  }
0x68: {  	_ =	shalt  }
0x69: {  	_ =	shalt  }
0x6a: {  	_ =	shalt  }
0x6b: {  	_ =	shalt  }
0x6c: {  	_ =	shalt  }
0x6d: {  	_ =	shalt  }
0x6e: {  	_ =	shalt  }
0x6f: {  	_ =	shalt  }
0x70: {  	_ =	shalt  }
0x71: {  	_ =	shalt  }
0x72: {  	_ =	shalt  }
0x73: {  	_ =	shalt  }
0x74: {  	_ =	shalt  }
0x75: {  	_ =	shalt  }
0x76: {  	_ =	shalt  }
0x77: {  	_ =	shalt  }
0x78: {  	_ =	shalt  }
0x79: {  	_ =	shalt  }
0x7a: {  	_ =	shalt  }
0x7b: {  	_ =	shalt  }
0x7c: {  	_ =	shalt  }
0x7d: {  	_ =	shalt  }
0x7e: {  	_ =	shalt  }
0x7f: {  	_ =	shalt  }
0x80: {  	_ =	shalt  }
0x81: {  	_ =	shalt  }
0x82: {  	_ =	shalt  }
0x83: {  	_ =	shalt  }
0x84: {  	_ =	shalt  }
0x85: {  	_ =	shalt  }
0x86: {  	_ =	shalt  }
0x87: {  	_ =	shalt  }
.Lfunc_end0:
.L_simem_size_0:
called_computation.1_lowered:
.L_overlay_start_0:
0x88: {  	s2 =	sld [smem:$0x3FD9]  }
0x89: {  	s3 =	sld [smem:$0x3FFE];
	_ =	sdelay $0x1  }
0x8a: {  	s1 =	srdreg.scid  }
0x8b: {  	s0 =	sand.u32 $0x1, s1  }
0x8c: {  	s16 =	sshll.u32 s0, $0xA;
	s2 =	sadd.s32 s3, s2  }
0x8d: {  	s2 =	sadd.s32 s2, s16  }
0x8e: {  	[smem:$0x3FC1] =	sst s2  }
0x8f: {  	_ = 	snop  }
0x90: {  	(tm) =	ssettm $0x1  }
0x91: {  	s17 =	sld [smem:$0x3FFB];
	_ =	sdelay $0x3  }
0x92: {  	_ =	strace s17  }
0x93: {  	s2 =	sld [smem:$0x3FFC];
	_ =	sdelay $0x3  }
0x94: {  	_ =	strace s2  }
0x95: {  	s2 =	sld [smem:$0x3FFD];
	_ =	sdelay $0x3  }
0x96: {  	_ =	strace s2  }
0x97: {  	_ =	strace $0x8FFFFFFF  }
0x98: {  	s18 =	sld [smem:$0x3FDB];
	_ =	sdelay $0x1  }
0x99: {  	s19 =	simm.s32 $_scs_section_size  }
0x9a: {  	s4 =	simm.s32 $_size__tile_overlayer_lowered;
	s5 =	simm.s32 $_tile_overlayer_lowered  }
0x9b: {  	s22 =	simm.s32 $0x1BFF;
	s21 =	sshll.u32 s5, $0x1;
	s2 =	sadd.s32 s19, s18  }
0x9c: {  	s6 =	simm.s32 $0x0;
	s20 =	sshll.u32 s4, $0x1;
	s4 =	sadd.s32 s21, s2  }
0x9d: {  	[timem:s6], [sflag:s22] =	dma.local [hbm:s4], s20  }
0x9e: {  	_ =	swait.ge [sflag:s22], s20  }
0x9f: {  	s3 =	ssub.s32 $0x0, s20;
	[sflag:s22] =	ssyncset.done $0x0  }
0xa0: {  	[sflag:s22] =	ssyncadd.s32 s3;
	_ =	sdelay $0x1  }
0xa1: {  	s23 =	simm.s32 $0x1B8B  }
0xa2: {  	_ =	swait.ge [sflag:s23], $0x1  }
0xa3: {  	[sflag:s23] =	ssyncset.done $0x0  }
0xa4: {  	s25 =	simm.s32 $0x1B8E;
	s24 =	sld [smem:$0x3FFE];
	[sflag:s23] =	ssyncadd.s32 $0xFFFFFFFF  }
0xa5: {  	s26 =	simm.s32 $execute0_lowered;
	[smem:$0x3FD2] =	sst s25  }
0xa6: {  	s4 =	sshll.u32 s26, $0x1;
	_ =	strace $0x80000046;
	[dreg:$0x1] =	wrdreg $0xFFFFFFFF  }
0xa7: {  	s28 =	simm.s32 $_size_execute0_lowered;
	s2 =	sadd.s32 s2, s4;
	[dreg:$0x0] =	wrdreg $0x0  }
0xa8: {  	s4 =	sshll.u32 s28, $0x1;
	[dreg:$0x2] =	wrdreg s2  }
0xa9: {  	[dreg:$0x3] =	wrdreg s4  }
0xaa: {  	[dreg:$0x4] =	wrdreg $0xC0  }
0xab: {  	_ =	task [dreg:s6], $0x5FFFF  }
0xac: {  	[dreg:$0x1] =	wrdreg $0xFFFFFFFF  }
0xad: {  	[dreg:$0x0] =	wrdreg $0x60  }
0xae: {  	[dreg:$0x2] =	wrdreg s24  }
0xaf: {  	[dreg:$0x3] =	wrdreg $0x40800  }
0xb0: {  	[dreg:$0x4] =	wrdreg $0x9  }
0xb1: {  	_ =	task.clear_ibuf [dreg:s6], $0x5FFFF;
	_ =	strace $0x90000046  }
0xb2: {  	s29 =	simm.s32 $0x9;
	_ =	strace $0x80000048  }
0xb3: {  	_ =	swait.ge [sflag:s29], $0x1  }
0xb4: {  	[sflag:s29] =	ssyncadd.s32 $0xFFFFFFFF  }
0xb5: {  	_ =	strace $0x90000048  }
0xb6: {  	_ =	sfence  }
0xb7: {  	s30 =	sld [smem:$0x0];
	_ =	sdelay $0x2  }
0xb8: {  	s31 =	sshll.u32 s1, $0xD;
	s1 =	sshrl.u32 s1, $0x2  }
0xb9: {  	s3 =	sand.u32 $0x4000, s31;
	s1 =	sadd.s32 s1, s30  }
0xba: {  	s0 =	sor.u32 s3, s0;
	s1 =	sshll.u32 s1, $0x11  }
0xbb: {  	s0 =	sor.u32 s1, s0  }
0xbc: {  	s0 =	sadd.s32 $0x8F2B, s0  }
0xbd: {  	[sflag:s0] =	ssyncadd.remote.s32 $0x1  }
0xbe: {  	_ =	sfence.sel $0xFFFF  }
0xbf: {  	[dreg:$0x0] =	wrdreg $0xFFFFFFFF;
	(pc) =	sbr.abs _section_cstart, $3  }
0xc0: {  	[dreg:$0x1] =	wrdreg $0xFFFFFFFF  }
0xc1: {  	_ =	task.clear_ibuf [dreg:s6], $0x2FFFF;
	_ =	strace $0x9FFFFFFF  }
0xc2: {  	(tm) =	ssettm $0x7FFFFFFF  }
0xc3: {  	_ =	shalt  }
tec
execute0_lowered:
.L_overlay_start_1:
0x0: {  	(tag) =	ssettag $0x1  }
0x1: {  	s4 =	rddreg [dreg:$0x0]  }
0x2: {  	s0 =	srdreg.scid;
	s2 =	rddreg [dreg:$0x1]  }
0x3: {  	s1 =	rddreg [dreg:$0x2];
	s5 =	sand.u32 $0x1, s0  }
0x4: {  	s0 =	stileid.u32;
	s6 =	smul.u32 $0x13C000, s5  }
0x5: {  	s3 =	simm.s32 $0x0;
	s13 =	simm.s32 $0x1;
	s7 =	smul.u32 $0x13C00, s0  }
0x6: {  	s16 =	simm.s32 $0x0;
	[smem:$0x7FF] =	sst s3;
	s8 =	smul.u32 $0x4F00, s5  }
0x7: {  	s29 =	smul.u32 $0x4F000, s0;
	_ =	strace $0x80000047;
	s5 =	ssub.s32 $0x2, s5  }
0x8: {  	s11 =	smul.u32 $0x4F0, s0;
	s14 =	sshll.u32 s0, $0x6;
	s31 =	sshrl.u32 s5, $0x1  }
0x9: {  	s14 =	sor.u32 $0x1C01, s14;
	s6 =	sadd.s32 s7, s6;
	s9 =	sadd.s32 s8, s4  }
0xa: {  	s30 =	sshrl.u32 s29, $0x2;
	s12 =	ssub.s32 s5, s31;
	s6 =	sshrl.u32 s6, $0x3  }
0xb: {  	s11 =	sadd.s32 s11, s9;
	s10 =	sadd.s32 s6, s4;
	s4 =	sadd.s32 s30, s2  }
0xc: {  	s11 =	sadd.s32 $0x1E00, s11;
	s5 =	sadd.s32 $0x4000, s4;
	s6 =	sadd.s32 $0x8000, s4  }
0xd: {  	s7 =	sadd.s32 $0xC000, s4;
	s8 =	sadd.s32 $0x10000, s4;
	s9 =	sadd.s32 $0xBC00, s10  }
0xe: {  	v0 =	vimm.f32 $0.0e+00;
	v1 =	vimm.f32 $1.000000000e+00;
	s10 =	smax.u32 s12, $0x1;
	s12 =	simm.s32 $0x80;
	s15 =	sshrl.u32 s4, $0x3  }
.LBB2_1:
0xf: {  	s17 =	simm.s32 $0x0;
	s18 =	simm.s32 $0x200  }
.LBB2_2:
0x10: {  	p0 =	sne.s32 s18, $0xFE00;
	[tilespmem:s17+$0xF0] =	vst v0  }
0x11: {  	[tilespmem:s17+$0x80] =	vst v0  }
0x12: {  	[tilespmem:s17+$0x90] =	vst v0  }
.Ltmp0:
0x13: {  	[tilespmem:s17+$0xA0] =	vst v0;
	(pc) =	sbr.rel @p0 .LBB2_2-.Ltmp0, $4  }
0x14: {  	[tilespmem:s17+$0xB0] =	vst v0  }
0x15: {  	[tilespmem:s17+$0xC0] =	vst v0  }
0x16: {  	[tilespmem:s17+$0xD0] =	vst v0  }
0x17: {  	[tilespmem:s17+$0xE0] =	vst v0;
	s17 =	sshra.s32 s18, $0x2;
	s18 =	sadd.s32 $0x200, s18  }
0x18: {  	[tilespmem:s17+$0xF0] =	vst v0  }
0x19: {  	[tilespmem:s17+$0x80] =	vst v0  }
0x1a: {  	[tilespmem:s17+$0x90] =	vst v0  }
0x1b: {  	[tilespmem:s17+$0xA0] =	vst v0  }
0x1c: {  	[tilespmem:s17+$0xB0] =	vst v0  }
0x1d: {  	[tilespmem:s17+$0xC0] =	vst v0  }
0x1e: {  	[tilespmem:s17+$0xD0] =	vst v0  }
0x1f: {  	[tilespmem:s17+$0xE0] =	vst v0  }
0x20: {  	[spmem:s4] =	stream.linear.scatter [tilespmem:s12], [sflag:$0x1], $0x4000, $0x38;
	[tilespmem:$0x17C80] =	vst v63  }
0x21: {  	_ =	swait.ge [sflag:s13], $0x4000  }
0x22: {  	[sflag:s13] =	ssyncset.done $0x0  }
0x23: {  	[sflag:s13] =	ssyncadd.s32 $0xFFFFC000  }
0x24: {  	[spmem:s5] =	stream.linear.scatter [tilespmem:s12], [sflag:$0x1], $0x4000, $0x38;
	[tilespmem:$0x17C80] =	vst v63  }
0x25: {  	_ =	swait.ge [sflag:s13], $0x4000  }
0x26: {  	[sflag:s13] =	ssyncset.done $0x0  }
0x27: {  	[sflag:s13] =	ssyncadd.s32 $0xFFFFC000  }
0x28: {  	[spmem:s6] =	stream.linear.scatter [tilespmem:s12], [sflag:$0x1], $0x4000, $0x38;
	[tilespmem:$0x17C80] =	vst v63  }
0x29: {  	_ =	swait.ge [sflag:s13], $0x4000  }
0x2a: {  	[sflag:s13] =	ssyncset.done $0x0  }
0x2b: {  	[sflag:s13] =	ssyncadd.s32 $0xFFFFC000  }
0x2c: {  	[spmem:s7] =	stream.linear.scatter [tilespmem:s12], [sflag:$0x1], $0x4000, $0x38;
	[tilespmem:$0x17C80] =	vst v63  }
0x2d: {  	_ =	swait.ge [sflag:s13], $0x4000  }
0x2e: {  	[sflag:s13] =	ssyncset.done $0x0  }
0x2f: {  	[sflag:s13] =	ssyncadd.s32 $0xFFFFC000  }
0x30: {  	[spmem:s8] =	stream.linear.scatter [tilespmem:s12], [sflag:$0x1], $0x3C00, $0x38;
	[tilespmem:$0x17C80] =	vst v63  }
0x31: {  	_ =	swait.ge [sflag:s13], $0x3C00  }
0x32: {  	[sflag:s13] =	ssyncset.done $0x0  }
0x33: {  	[sflag:s13] =	ssyncadd.s32 $0xFFFFC400  }
0x34: {  	s17 =	simm.s32 $0x0;
	s18 =	simm.s32 $0x200;
	[bflag:$0x0] =	sbarrier.arrive $0xFFFF  }
.LBB2_4:
0x35: {  	p0 =	sne.s32 s18, $0xFE00;
	[tilespmem:s17+$0xF0] =	vst v1  }
0x36: {  	[tilespmem:s17+$0x80] =	vst v1  }
0x37: {  	[tilespmem:s17+$0x90] =	vst v1  }
.Ltmp1:
0x38: {  	[tilespmem:s17+$0xA0] =	vst v1;
	(pc) =	sbr.rel @p0 .LBB2_4-.Ltmp1, $4  }
0x39: {  	[tilespmem:s17+$0xB0] =	vst v1  }
0x3a: {  	[tilespmem:s17+$0xC0] =	vst v1  }
0x3b: {  	[tilespmem:s17+$0xD0] =	vst v1  }
0x3c: {  	[tilespmem:s17+$0xE0] =	vst v1;
	s17 =	sshra.s32 s18, $0x2;
	s18 =	sadd.s32 $0x200, s18  }
0x3d: {  	[tilespmem:s17+$0xF0] =	vst v1  }
0x3e: {  	[tilespmem:s17+$0x80] =	vst v1  }
0x3f: {  	[tilespmem:s17+$0x90] =	vst v1  }
0x40: {  	[tilespmem:s17+$0xA0] =	vst v1  }
0x41: {  	[tilespmem:s17+$0xB0] =	vst v1  }
0x42: {  	[tilespmem:s17+$0xC0] =	vst v1  }
0x43: {  	[tilespmem:s17+$0xD0] =	vst v1  }
0x44: {  	[tilespmem:s17+$0xE0] =	vst v1;
	s31 =	sadd.s32 $0x0, s11  }
0x45: {  	[tilespmem:s3], [sflag:$0x1] =	stream.linear.gather [hbm4b:s31+s3], $0x80, $0x38;
	[tilespmem:$0x17C80] =	vst v63  }
0x46: {  	_ =	swait.ge [sflag:s13], $0x80  }
0x47: {  	[sflag:s13] =	ssyncset.done $0x0  }
0x48: {  	[sflag:s13] =	ssyncadd.s32 $0xFFFFFF80  }
0x49: {  	[spmem:s2] =	stream.indirect.scatter.add.f32 [tilespmem:s12], [sflag:$0x1], $0x80, s3, s12, $0xb8;
	[tilespmem:$0x17C80] =	vst v63  }
0x4a: {  	_ =	swait.ge [sflag:s13], $0x4000  }
0x4b: {  	s17 =	simm.s32 $0x10;
	s18 =	simm.s32 $0x20;
	[sflag:s13] =	ssyncset.done $0x0  }
.LBB2_6:
0x4c: {  	s19 =	sadd.s32 s17, s11  }
0x4d: {  	[sflag:s13] =	ssyncadd.s32 $0xFFFFC000;
	s17 =	smov.u32 s18;
	s20 =	sadd.s32 $0x10, s18  }
0x4e: {  	[tilespmem:s3], [sflag:$0x1] =	stream.linear.gather [hbm4b:s19+s3], $0x80, $0x38;
	[tilespmem:$0x17C80] =	vst v63  }
0x4f: {  	p0 =	sne.s32 s18, $0x4E0;
	_ =	swait.ge [sflag:s13], $0x80  }
.Ltmp2:
0x50: {  	[sflag:s13] =	ssyncset.done $0x0;
	(pc) =	sbr.rel @p0 .LBB2_6-.Ltmp2, $4  }
0x51: {  	[sflag:s13] =	ssyncadd.s32 $0xFFFFFF80  }
0x52: {  	[spmem:s2] =	stream.indirect.scatter.add.f32 [tilespmem:s12], [sflag:$0x1], $0x80, s3, s12, $0xb8;
	[tilespmem:$0x17C80] =	vst v63  }
0x53: {  	_ =	swait.ge [sflag:s13], $0x4000  }
0x54: {  	s18 =	smov.u32 s20;
	[sflag:s13] =	ssyncset.done $0x0  }
0x55: {  	s17 =	sadd.s32 s17, s11;
	[sflag:s13] =	ssyncadd.s32 $0xFFFFC000  }
0x56: {  	[tilespmem:s3], [sflag:$0x1] =	stream.linear.gather [hbm4b:s17+s3], $0x80, $0x38;
	[tilespmem:$0x17C80] =	vst v63  }
0x57: {  	_ =	swait.ge [sflag:s13], $0x80  }
0x58: {  	[sflag:s13] =	ssyncset.done $0x0  }
0x59: {  	[sflag:s13] =	ssyncadd.s32 $0xFFFFFF80  }
0x5a: {  	[spmem:s2] =	stream.indirect.scatter.add.f32 [tilespmem:s12], [sflag:$0x1], $0x80, s3, s12, $0xb8;
	[tilespmem:$0x17C80] =	vst v63  }
0x5b: {  	_ =	swait.ge [sflag:s13], $0x4000  }
0x5c: {  	s16 =	sadd.s32 $0x1, s16;
	[sflag:s13] =	ssyncset.done $0x0  }
0x5d: {  	p0 =	sne.s32 s16, s10;
	[sflag:s13] =	ssyncadd.s32 $0xFFFFC000  }
.Ltmp3:
0x5e: {  	[bflag:$0x0] =	sbarrier.arrive $0xFFFF;
	(pc) =	sbr.rel @p0 .LBB2_1-.Ltmp3, $4  }
0x5f: {  	[hbm:s9], [sflag:s14] =	dma.local [spmem:s15], $0x2780  }
0x60: {  	_ =	swait.ge [sflag:s13], $0x2780  }
0x61: {  	[sflag:s13] =	ssyncset.done $0x0  }
0x62: {  	[sflag:s13] =	ssyncadd.s32 $0xFFFFD880  }
0x63: {  	_ =	sfence.sel $0x180000  }
0x64: {  	[bflag:$0x0] =	sbarrier.arrive $0xFFFF  }
0x65: {  	p0 =	sne.s32 s0, $0x0;
	_ =	strace $0x90000047  }
0x66: {  	s0 =	sadd.s32 @!p0 $0x100000, s1;
	[bflag:$0x2] =	sbarrier.arrive $0xFFFF  }
0x67: {  	[sflag:s0] =	ssyncadd.tile.s32 @!p0 $0x1;
	_ =	shalt  }
.Lfunc_end2:
_tile_overlayer_lowered:
.L_overlay_start_2:
0x68: {  	(tag) =	ssettag $0x2  }
0x69: {  	s0 =	rddreg [dreg:$0x0];
	s2 =	stileid.u32  }
0x6a: {  	s1 =	rddreg [dreg:$0x1];
	p0 =	sne.s32 s2, $0x0  }
0x6b: {  	s3 =	rddreg [dreg:$0x2];
	[bflag:$0x3] =	sbarrier.arrive $0xFFFF;
	s2 =	simm.s32 @!p0 $0x1C01  }
0x6c: {  	[timem:s3], [sflag:s2] =	dma.local @!p0 [hbm:s0], s1  }
0x6d: {  	s0 =	simm.s32 @!p0 $0x1  }
0x6e: {  	_ =	swait.ge @!p0 [sflag:s0], s1  }
0x6f: {  	s1 =	ssub.s32 @!p0 $0x0, s1;
	[sflag:s0] =	ssyncset.done @!p0 $0x0  }
0x70: {  	[sflag:s0] =	ssyncadd.s32 @!p0 s1  }
0x71: {  	[bflag:$0x3] =	sbarrier.arrive $0xFFFF  }
0x72: {  	_ =	shalt  }

</sc_bundles>
